<compile_context>
chip_gen: v7x
topology: tpu7x:2x2x1
jax: 0.10.2.dev20260603
libtpu: 0.0.44.dev20260713+nightly
codegen_flags: <defaults>
</compile_context>

<pallas_src>
import functools

import jax
import jax.numpy as jnp
from jax import lax
from jax.experimental import pallas as pl
from jax.experimental.pallas import tpu as pltpu
from jax.experimental.pallas import tpu_sc as plsc

SEQ = 8192
BATCH = 4
D = 768

NUM_CORES = 2
NUM_SUBCORES = 16
NW = NUM_CORES * NUM_SUBCORES
ROWS_PER_W = SEQ // NW
NBUF = 2
CHUNK = 64
NCHUNK = ROWS_PER_W // CHUNK


def _body(pe_hbm, out_hbm, buf, rsem, wsem):
    wid = lax.axis_index("c") * NUM_SUBCORES + lax.axis_index("s")
    base = wid * ROWS_PER_W

    def chunk_slot(k):
        return pl.ds((k % NBUF) * CHUNK, CHUNK)

    def start_read(k):
        pltpu.async_copy(
            pe_hbm.at[pl.ds(base + k * CHUNK, CHUNK)], buf.at[chunk_slot(k)],
            rsem)

    def drain_writes_of_one_chunk():
        for b in range(BATCH):
            pltpu.make_async_copy(
                buf.at[pl.ds(0, CHUNK)],
                out_hbm.at[pl.ds(base, CHUNK), b], wsem).wait()

    start_read(0)

    def step(i, carry):
        pltpu.make_async_copy(
            pe_hbm.at[pl.ds(base, CHUNK)], buf.at[pl.ds(0, CHUNK)], rsem).wait()

        @pl.when(i + 1 < NCHUNK)
        def _():
            @pl.when(i >= 1)
            def _():
                drain_writes_of_one_chunk()
            start_read(i + 1)

        row0 = base + i * CHUNK
        for b in range(BATCH):
            pltpu.async_copy(
                buf.at[chunk_slot(i)], out_hbm.at[pl.ds(row0, CHUNK), b], wsem)
        return carry

    lax.fori_loop(0, NCHUNK, step, 0)
    drain_writes_of_one_chunk()
    drain_writes_of_one_chunk()


_bcast = functools.partial(
    pl.kernel,
    out_type=jax.ShapeDtypeStruct((SEQ, BATCH, D), jnp.float32),
    mesh=plsc.VectorSubcoreMesh(
        core_axis_name="c", subcore_axis_name="s",
        num_cores=NUM_CORES, num_subcores=NUM_SUBCORES),
    scratch_types=[
        pltpu.VMEM((NBUF * CHUNK, D), jnp.float32),
        pltpu.SemaphoreType.DMA,
        pltpu.SemaphoreType.DMA,
    ],
)(_body)


@jax.jit
def kernel(z, pos_embed):
    del z
    return _bcast(pos_embed)

# --- scband reference (transcript-rebuilt; emitter-appended) ---
"""Pipeline reference for scband-const-embedding-21990232556118 (READ-ONLY COPY).

The authoritative reference and input builder live on the scoring server;
editing this copy changes nothing except your own understanding.
"""

import jax, jax.numpy as jnp
import numpy as np

SEQ_LEN = 8192
D_MODEL = 768
BATCH = 4

def setup_inputs(seed: int = 0) -> dict:
    key = jax.random.key(seed)
    k1, k2 = jax.random.split(key)
    z = jax.random.normal(k1, (1, BATCH, D_MODEL), dtype=jnp.float32)
    # learned positional embedding table (nn.Embedding(seq_len, d_model))
    pos_embed = jax.random.normal(k2, (SEQ_LEN, D_MODEL), dtype=jnp.float32) * 0.02
    return {"z": z, "pos_embed": pos_embed}

def reference(z, pos_embed):
    # ConstEmbedding.forward: src = PE(z.new_zeros(seq_len, batch, d_model))
    # PositionalEncodingLUT (eval mode, dropout=identity):
    #   pos = arange(seq_len); x = x + pos_embed(pos)
    seq_len, d_model = pos_embed.shape
    batch = z.shape[1]
    x = jnp.zeros((seq_len, batch, d_model), dtype=jnp.float32)
    pos = jnp.arange(seq_len)
    pe = jnp.take(pos_embed, pos, axis=0)  # gather: [seq_len, d_model]
    src = x + pe[:, None, :]  # broadcast over batch -> [seq_len, batch, d_model]
    return src

if __name__ == "__main__":
    import jax
    _d = setup_inputs()
    print(jax.jit(kernel)(*tuple(_d.values())))

</pallas_src>

<mosaic_0001>
#map = affine_map<(d0, d1) -> (0, 0)>
#map1 = affine_map<(d0, d1) -> (0, 0, 0)>
module attributes {stable_mosaic.version = 14 : i64} {
  func.func @_body(%arg0: i32, %arg1: i32, %arg2: memref<8192x768xf32, #tpu.memory_space<hbm>>, %arg3: memref<8192x4x768xf32, #tpu.memory_space<hbm>>, %arg4: memref<128x768xf32, #tpu.memory_space<vmem>>, %arg5: memref<!tpu.dma_semaphore, #tpu.memory_space<semaphore_mem>>, %arg6: memref<!tpu.dma_semaphore, #tpu.memory_space<semaphore_mem>>) attributes {dimension_semantics = [#tpu.dimension_semantics<core_parallel>, #tpu.dimension_semantics<subcore_parallel>], iteration_bounds = array<i64: 2, 16>, scalar_prefetch = 0 : i64, scratch_operands = 3 : i64, tpu.core_type = #tpu.core_type<sc_vector_subcore>, window_params = [{transform_indices = #map}, {transform_indices = #map1}]} {
    %mul3A = arith.constant 16 : i32
    %mul3A_0 = arith.muli %arg0, %mul3A : i32
    %add3A = arith.addi %mul3A_0, %arg1 : i32
    %mul3A_1 = arith.constant 256 : i32
    %mul3A_2 = arith.muli %add3A, %mul3A_1 : i32
    %add3A_3 = arith.constant 0 : i32
    %add3A_4 = arith.addi %mul3A_2, %add3A_3 : i32
    %dma_start3A = arith.constant 0 : i32
    %dma_start3A_5 = arith.constant 0 : i32
    %dma_start3A_6 = tpu.memref_slice %arg4[%dma_start3A, %dma_start3A_5] : memref<128x768xf32, #tpu.memory_space<vmem>> -> memref<64x768xf32, #tpu.memory_space<vmem>>
    %dma_start3A_7 = arith.constant 0 : i32
    %dma_start3A_8 = tpu.memref_slice %arg2[%add3A_4, %dma_start3A_7] : memref<8192x768xf32, #tpu.memory_space<hbm>> -> memref<64x768xf32, #tpu.memory_space<hbm>>
    %dma_start3A_9 = arith.constant 0 : i32
    %dma_start3A_10 = arith.constant 0 : i32
    %dma_start3A_11 = tpu.memref_slice %arg4[%dma_start3A_9, %dma_start3A_10] : memref<128x768xf32, #tpu.memory_space<vmem>> -> memref<64x768xf32, #tpu.memory_space<vmem>>
    %dma_start3A_12 = arith.constant 0 : i32
    %dma_start3A_13 = tpu.memref_slice %arg2[%add3A_4, %dma_start3A_12] : memref<8192x768xf32, #tpu.memory_space<hbm>> -> memref<64x768xf32, #tpu.memory_space<hbm>>
    tpu.enqueue_dma source(%dma_start3A_13 : memref<64x768xf32, #tpu.memory_space<hbm>>) target(%dma_start3A_11 : memref<64x768xf32, #tpu.memory_space<vmem>>) target_semaphore(%arg5 : memref<!tpu.dma_semaphore, #tpu.memory_space<semaphore_mem>>)
    %scan3A = arith.constant 0 : i32
    %scan3A_14 = arith.constant 0 : i32
    %scan3A_15 = arith.constant 4 : i32
    %scan3A_16 = arith.addi %scan3A_14, %scan3A_15 : i32
    %scan3A_17 = arith.constant 1 : i32
    scf.for %scan3A_122 = %scan3A_14 to %scan3A_16 step %scan3A_17  : i32 {
      %dma_wait3A_123 = arith.constant 0 : i32
      %dma_wait3A_124 = arith.constant 0 : i32
      %dma_wait3A_125 = tpu.memref_slice %arg4[%dma_wait3A_123, %dma_wait3A_124] : memref<128x768xf32, #tpu.memory_space<vmem>> -> memref<64x768xf32, #tpu.memory_space<vmem>>
      %dma_wait3A_126 = arith.constant 0 : i32
      %dma_wait3A_127 = tpu.memref_slice %arg2[%mul3A_2, %dma_wait3A_126] : memref<8192x768xf32, #tpu.memory_space<hbm>> -> memref<64x768xf32, #tpu.memory_space<hbm>>
      %dma_wait3A_128 = arith.constant 0 : i32
      %dma_wait3A_129 = arith.constant 0 : i32
      %dma_wait3A_130 = tpu.memref_slice %arg4[%dma_wait3A_128, %dma_wait3A_129] : memref<128x768xf32, #tpu.memory_space<vmem>> -> memref<64x768xf32, #tpu.memory_space<vmem>>
      %dma_wait3A_131 = arith.constant 0 : i32
      %dma_wait3A_132 = tpu.memref_slice %arg2[%mul3A_2, %dma_wait3A_131] : memref<8192x768xf32, #tpu.memory_space<hbm>> -> memref<64x768xf32, #tpu.memory_space<hbm>>
      tpu.wait_dma2 semaphore(%arg5 : memref<!tpu.dma_semaphore, #tpu.memory_space<semaphore_mem>>) src(%dma_wait3A_132 : memref<64x768xf32, #tpu.memory_space<hbm>>) dst(%dma_wait3A_130 : memref<64x768xf32, #tpu.memory_space<vmem>>)
      %add3A_133 = arith.constant 1 : i32
      %add3A_134 = arith.addi %scan3A_122, %add3A_133 : i32
      %lt3A = arith.constant 4 : i32
      %lt3A_135 = arith.cmpi slt, %add3A_134, %lt3A : i32
      %convert_element_type3A = arith.extui %lt3A_135 : i1 to i32
      %cond3A = arith.constant 0 : i32
      %cond3A_136 = arith.cmpi ne, %convert_element_type3A, %cond3A : i32
      scf.if %cond3A_136 {
        %ge3A = arith.constant 1 : i32
        %ge3A_250 = arith.cmpi sge, %scan3A_122, %ge3A : i32
        %convert_element_type3A_251 = arith.extui %ge3A_250 : i1 to i32
        %cond3A_252 = arith.constant 0 : i32
        %cond3A_253 = arith.cmpi ne, %convert_element_type3A_251, %cond3A_252 : i32
        scf.if %cond3A_253 {
          %dma_wait3A_285 = arith.constant 0 : i32
          %dma_wait3A_286 = arith.constant 0 : i32
          %dma_wait3A_287 = arith.constant 0 : i32
          %dma_wait3A_288 = tpu.memref_slice %arg4[%dma_wait3A_286, %dma_wait3A_287] : memref<128x768xf32, #tpu.memory_space<vmem>> -> memref<64x768xf32, #tpu.memory_space<vmem>>
          %dma_wait3A_289 = arith.constant 0 : i32
          %dma_wait3A_290 = tpu.memref_slice %arg3[%mul3A_2, %dma_wait3A_285, %dma_wait3A_289] : memref<8192x4x768xf32, #tpu.memory_space<hbm>> -> memref<64x1x768xf32, #tpu.memory_space<hbm>>
          %dma_wait3A_291 = tpu.memref_squeeze %dma_wait3A_290 : memref<64x1x768xf32, #tpu.memory_space<hbm>> -> memref<64x768xf32, #tpu.memory_space<hbm>>
          %dma_wait3A_292 = arith.constant 0 : i32
          %dma_wait3A_293 = tpu.memref_slice %arg3[%mul3A_2, %dma_wait3A_285, %dma_wait3A_292] : memref<8192x4x768xf32, #tpu.memory_space<hbm>> -> memref<64x1x768xf32, #tpu.memory_space<hbm>>
          %dma_wait3A_294 = tpu.memref_squeeze %dma_wait3A_293 : memref<64x1x768xf32, #tpu.memory_space<hbm>> -> memref<64x768xf32, #tpu.memory_space<hbm>>
          %dma_wait3A_295 = arith.constant 0 : i32
          %dma_wait3A_296 = arith.constant 0 : i32
          %dma_wait3A_297 = tpu.memref_slice %arg4[%dma_wait3A_295, %dma_wait3A_296] : memref<128x768xf32, #tpu.memory_space<vmem>> -> memref<64x768xf32, #tpu.memory_space<vmem>>
          tpu.wait_dma2 semaphore(%arg6 : memref<!tpu.dma_semaphore, #tpu.memory_space<semaphore_mem>>) src(%dma_wait3A_297 : memref<64x768xf32, #tpu.memory_space<vmem>>) dst(%dma_wait3A_294 : memref<64x768xf32, #tpu.memory_space<hbm>>)
          %dma_wait3A_298 = arith.constant 1 : i32
          %dma_wait3A_299 = arith.constant 0 : i32
          %dma_wait3A_300 = arith.constant 0 : i32
          %dma_wait3A_301 = tpu.memref_slice %arg4[%dma_wait3A_299, %dma_wait3A_300] : memref<128x768xf32, #tpu.memory_space<vmem>> -> memref<64x768xf32, #tpu.memory_space<vmem>>
          %dma_wait3A_302 = arith.constant 0 : i32
          %dma_wait3A_303 = tpu.memref_slice %arg3[%mul3A_2, %dma_wait3A_298, %dma_wait3A_302] : memref<8192x4x768xf32, #tpu.memory_space<hbm>> -> memref<64x1x768xf32, #tpu.memory_space<hbm>>
          %dma_wait3A_304 = tpu.memref_squeeze %dma_wait3A_303 : memref<64x1x768xf32, #tpu.memory_space<hbm>> -> memref<64x768xf32, #tpu.memory_space<hbm>>
          %dma_wait3A_305 = arith.constant 0 : i32
          %dma_wait3A_306 = tpu.memref_slice %arg3[%mul3A_2, %dma_wait3A_298, %dma_wait3A_305] : memref<8192x4x768xf32, #tpu.memory_space<hbm>> -> memref<64x1x768xf32, #tpu.memory_space<hbm>>
          %dma_wait3A_307 = tpu.memref_squeeze %dma_wait3A_306 : memref<64x1x768xf32, #tpu.memory_space<hbm>> -> memref<64x768xf32, #tpu.memory_space<hbm>>
          %dma_wait3A_308 = arith.constant 0 : i32
          %dma_wait3A_309 = arith.constant 0 : i32
          %dma_wait3A_310 = tpu.memref_slice %arg4[%dma_wait3A_308, %dma_wait3A_309] : memref<128x768xf32, #tpu.memory_space<vmem>> -> memref<64x768xf32, #tpu.memory_space<vmem>>
          tpu.wait_dma2 semaphore(%arg6 : memref<!tpu.dma_semaphore, #tpu.memory_space<semaphore_mem>>) src(%dma_wait3A_310 : memref<64x768xf32, #tpu.memory_space<vmem>>) dst(%dma_wait3A_307 : memref<64x768xf32, #tpu.memory_space<hbm>>)
          %dma_wait3A_311 = arith.constant 2 : i32
          %dma_wait3A_312 = arith.constant 0 : i32
          %dma_wait3A_313 = arith.constant 0 : i32
          %dma_wait3A_314 = tpu.memref_slice %arg4[%dma_wait3A_312, %dma_wait3A_313] : memref<128x768xf32, #tpu.memory_space<vmem>> -> memref<64x768xf32, #tpu.memory_space<vmem>>
          %dma_wait3A_315 = arith.constant 0 : i32
          %dma_wait3A_316 = tpu.memref_slice %arg3[%mul3A_2, %dma_wait3A_311, %dma_wait3A_315] : memref<8192x4x768xf32, #tpu.memory_space<hbm>> -> memref<64x1x768xf32, #tpu.memory_space<hbm>>
          %dma_wait3A_317 = tpu.memref_squeeze %dma_wait3A_316 : memref<64x1x768xf32, #tpu.memory_space<hbm>> -> memref<64x768xf32, #tpu.memory_space<hbm>>
          %dma_wait3A_318 = arith.constant 0 : i32
          %dma_wait3A_319 = tpu.memref_slice %arg3[%mul3A_2, %dma_wait3A_311, %dma_wait3A_318] : memref<8192x4x768xf32, #tpu.memory_space<hbm>> -> memref<64x1x768xf32, #tpu.memory_space<hbm>>
          %dma_wait3A_320 = tpu.memref_squeeze %dma_wait3A_319 : memref<64x1x768xf32, #tpu.memory_space<hbm>> -> memref<64x768xf32, #tpu.memory_space<hbm>>
          %dma_wait3A_321 = arith.constant 0 : i32
          %dma_wait3A_322 = arith.constant 0 : i32
          %dma_wait3A_323 = tpu.memref_slice %arg4[%dma_wait3A_321, %dma_wait3A_322] : memref<128x768xf32, #tpu.memory_space<vmem>> -> memref<64x768xf32, #tpu.memory_space<vmem>>
          tpu.wait_dma2 semaphore(%arg6 : memref<!tpu.dma_semaphore, #tpu.memory_space<semaphore_mem>>) src(%dma_wait3A_323 : memref<64x768xf32, #tpu.memory_space<vmem>>) dst(%dma_wait3A_320 : memref<64x768xf32, #tpu.memory_space<hbm>>)
          %dma_wait3A_324 = arith.constant 3 : i32
          %dma_wait3A_325 = arith.constant 0 : i32
          %dma_wait3A_326 = arith.constant 0 : i32
          %dma_wait3A_327 = tpu.memref_slice %arg4[%dma_wait3A_325, %dma_wait3A_326] : memref<128x768xf32, #tpu.memory_space<vmem>> -> memref<64x768xf32, #tpu.memory_space<vmem>>
          %dma_wait3A_328 = arith.constant 0 : i32
          %dma_wait3A_329 = tpu.memref_slice %arg3[%mul3A_2, %dma_wait3A_324, %dma_wait3A_328] : memref<8192x4x768xf32, #tpu.memory_space<hbm>> -> memref<64x1x768xf32, #tpu.memory_space<hbm>>
          %dma_wait3A_330 = tpu.memref_squeeze %dma_wait3A_329 : memref<64x1x768xf32, #tpu.memory_space<hbm>> -> memref<64x768xf32, #tpu.memory_space<hbm>>
          %dma_wait3A_331 = arith.constant 0 : i32
          %dma_wait3A_332 = tpu.memref_slice %arg3[%mul3A_2, %dma_wait3A_324, %dma_wait3A_331] : memref<8192x4x768xf32, #tpu.memory_space<hbm>> -> memref<64x1x768xf32, #tpu.memory_space<hbm>>
          %dma_wait3A_333 = tpu.memref_squeeze %dma_wait3A_332 : memref<64x1x768xf32, #tpu.memory_space<hbm>> -> memref<64x768xf32, #tpu.memory_space<hbm>>
          %dma_wait3A_334 = arith.constant 0 : i32
          %dma_wait3A_335 = arith.constant 0 : i32
          %dma_wait3A_336 = tpu.memref_slice %arg4[%dma_wait3A_334, %dma_wait3A_335] : memref<128x768xf32, #tpu.memory_space<vmem>> -> memref<64x768xf32, #tpu.memory_space<vmem>>
          tpu.wait_dma2 semaphore(%arg6 : memref<!tpu.dma_semaphore, #tpu.memory_space<semaphore_mem>>) src(%dma_wait3A_336 : memref<64x768xf32, #tpu.memory_space<vmem>>) dst(%dma_wait3A_333 : memref<64x768xf32, #tpu.memory_space<hbm>>)
        } else {
        }
        %add3A_254 = arith.constant 1 : i32
        %add3A_255 = arith.addi %scan3A_122, %add3A_254 : i32
        %mul3A_256 = arith.constant 64 : i32
        %mul3A_257 = arith.muli %add3A_255, %mul3A_256 : i32
        %add3A_258 = arith.addi %mul3A_2, %mul3A_257 : i32
        %jit3A_259 = arith.constant 2 : i32
        %eq3A_260 = arith.constant 0 : i32
        %eq3A_261 = arith.cmpi eq, %jit3A_259, %eq3A_260 : i32
        %jit3A_262 = arith.constant 1 : i32
        %select_n3A_263 = arith.select %eq3A_261, %jit3A_262, %jit3A_259 : i32
        %rem3A_264 = arith.remsi %add3A_255, %select_n3A_263 : i32
        %ne3A_265 = arith.constant 0 : i32
        %ne3A_266 = arith.cmpi ne, %rem3A_264, %ne3A_265 : i32
        %lt3A_267 = arith.constant 0 : i32
        %lt3A_268 = arith.cmpi slt, %rem3A_264, %lt3A_267 : i32
        %lt3A_269 = arith.constant 0 : i32
        %lt3A_270 = arith.cmpi slt, %select_n3A_263, %lt3A_269 : i32
        %ne3A_271 = arith.xori %lt3A_268, %lt3A_270 : i1
        %and3A_272 = arith.andi %ne3A_271, %ne3A_266 : i1
        %add3A_273 = arith.addi %rem3A_264, %select_n3A_263 : i32
        %select_n3A_274 = arith.select %and3A_272, %add3A_273, %rem3A_264 : i32
        %mul3A_275 = arith.constant 64 : i32
        %mul3A_276 = arith.muli %select_n3A_274, %mul3A_275 : i32
        %dma_start3A_277 = arith.constant 0 : i32
        %dma_start3A_278 = tpu.memref_slice %arg4[%mul3A_276, %dma_start3A_277] : memref<128x768xf32, #tpu.memory_space<vmem>> -> memref<64x768xf32, #tpu.memory_space<vmem>>
        %dma_start3A_279 = arith.constant 0 : i32
        %dma_start3A_280 = tpu.memref_slice %arg2[%add3A_258, %dma_start3A_279] : memref<8192x768xf32, #tpu.memory_space<hbm>> -> memref<64x768xf32, #tpu.memory_space<hbm>>
        %dma_start3A_281 = arith.constant 0 : i32
        %dma_start3A_282 = tpu.memref_slice %arg4[%mul3A_276, %dma_start3A_281] : memref<128x768xf32, #tpu.memory_space<vmem>> -> memref<64x768xf32, #tpu.memory_space<vmem>>
        %dma_start3A_283 = arith.constant 0 : i32
        %dma_start3A_284 = tpu.memref_slice %arg2[%add3A_258, %dma_start3A_283] : memref<8192x768xf32, #tpu.memory_space<hbm>> -> memref<64x768xf32, #tpu.memory_space<hbm>>
        tpu.enqueue_dma source(%dma_start3A_284 : memref<64x768xf32, #tpu.memory_space<hbm>>) target(%dma_start3A_282 : memref<64x768xf32, #tpu.memory_space<vmem>>) target_semaphore(%arg5 : memref<!tpu.dma_semaphore, #tpu.memory_space<semaphore_mem>>)
      } else {
      }
      %mul3A_137 = arith.constant 64 : i32
      %mul3A_138 = arith.muli %scan3A_122, %mul3A_137 : i32
      %add3A_139 = arith.addi %mul3A_2, %mul3A_138 : i32
      %jit3A = arith.constant 2 : i32
      %eq3A = arith.constant 0 : i32
      %eq3A_140 = arith.cmpi eq, %jit3A, %eq3A : i32
      %jit3A_141 = arith.constant 1 : i32
      %select_n3A = arith.select %eq3A_140, %jit3A_141, %jit3A : i32
      %rem3A = arith.remsi %scan3A_122, %select_n3A : i32
      %ne3A = arith.constant 0 : i32
      %ne3A_142 = arith.cmpi ne, %rem3A, %ne3A : i32
      %lt3A_143 = arith.constant 0 : i32
      %lt3A_144 = arith.cmpi slt, %rem3A, %lt3A_143 : i32
      %lt3A_145 = arith.constant 0 : i32
      %lt3A_146 = arith.cmpi slt, %select_n3A, %lt3A_145 : i32
      %ne3A_147 = arith.xori %lt3A_144, %lt3A_146 : i1
      %and3A = arith.andi %ne3A_147, %ne3A_142 : i1
      %add3A_148 = arith.addi %rem3A, %select_n3A : i32
      %select_n3A_149 = arith.select %and3A, %add3A_148, %rem3A : i32
      %mul3A_150 = arith.constant 64 : i32
      %mul3A_151 = arith.muli %select_n3A_149, %mul3A_150 : i32
      %dma_start3A_152 = arith.constant 0 : i32
      %dma_start3A_153 = arith.constant 0 : i32
      %dma_start3A_154 = tpu.memref_slice %arg4[%mul3A_151, %dma_start3A_153] : memref<128x768xf32, #tpu.memory_space<vmem>> -> memref<64x768xf32, #tpu.memory_space<vmem>>
      %dma_start3A_155 = arith.constant 0 : i32
      %dma_start3A_156 = tpu.memref_slice %arg3[%add3A_139, %dma_start3A_152, %dma_start3A_155] : memref<8192x4x768xf32, #tpu.memory_space<hbm>> -> memref<64x1x768xf32, #tpu.memory_space<hbm>>
      %dma_start3A_157 = tpu.memref_squeeze %dma_start3A_156 : memref<64x1x768xf32, #tpu.memory_space<hbm>> -> memref<64x768xf32, #tpu.memory_space<hbm>>
      %dma_start3A_158 = arith.constant 0 : i32
      %dma_start3A_159 = tpu.memref_slice %arg3[%add3A_139, %dma_start3A_152, %dma_start3A_158] : memref<8192x4x768xf32, #tpu.memory_space<hbm>> -> memref<64x1x768xf32, #tpu.memory_space<hbm>>
      %dma_start3A_160 = tpu.memref_squeeze %dma_start3A_159 : memref<64x1x768xf32, #tpu.memory_space<hbm>> -> memref<64x768xf32, #tpu.memory_space<hbm>>
      %dma_start3A_161 = arith.constant 0 : i32
      %dma_start3A_162 = tpu.memref_slice %arg4[%mul3A_151, %dma_start3A_161] : memref<128x768xf32, #tpu.memory_space<vmem>> -> memref<64x768xf32, #tpu.memory_space<vmem>>
      tpu.enqueue_dma source(%dma_start3A_162 : memref<64x768xf32, #tpu.memory_space<vmem>>) target(%dma_start3A_160 : memref<64x768xf32, #tpu.memory_space<hbm>>) target_semaphore(%arg6 : memref<!tpu.dma_semaphore, #tpu.memory_space<semaphore_mem>>)
      %jit3A_163 = arith.constant 2 : i32
      %eq3A_164 = arith.constant 0 : i32
      %eq3A_165 = arith.cmpi eq, %jit3A_163, %eq3A_164 : i32
      %jit3A_166 = arith.constant 1 : i32
      %select_n3A_167 = arith.select %eq3A_165, %jit3A_166, %jit3A_163 : i32
      %rem3A_168 = arith.remsi %scan3A_122, %select_n3A_167 : i32
      %ne3A_169 = arith.constant 0 : i32
      %ne3A_170 = arith.cmpi ne, %rem3A_168, %ne3A_169 : i32
      %lt3A_171 = arith.constant 0 : i32
      %lt3A_172 = arith.cmpi slt, %rem3A_168, %lt3A_171 : i32
      %lt3A_173 = arith.constant 0 : i32
      %lt3A_174 = arith.cmpi slt, %select_n3A_167, %lt3A_173 : i32
      %ne3A_175 = arith.xori %lt3A_172, %lt3A_174 : i1
      %and3A_176 = arith.andi %ne3A_175, %ne3A_170 : i1
      %add3A_177 = arith.addi %rem3A_168, %select_n3A_167 : i32
      %select_n3A_178 = arith.select %and3A_176, %add3A_177, %rem3A_168 : i32
      %mul3A_179 = arith.constant 64 : i32
      %mul3A_180 = arith.muli %select_n3A_178, %mul3A_179 : i32
      %dma_start3A_181 = arith.constant 1 : i32
      %dma_start3A_182 = arith.constant 0 : i32
      %dma_start3A_183 = tpu.memref_slice %arg4[%mul3A_180, %dma_start3A_182] : memref<128x768xf32, #tpu.memory_space<vmem>> -> memref<64x768xf32, #tpu.memory_space<vmem>>
      %dma_start3A_184 = arith.constant 0 : i32
      %dma_start3A_185 = tpu.memref_slice %arg3[%add3A_139, %dma_start3A_181, %dma_start3A_184] : memref<8192x4x768xf32, #tpu.memory_space<hbm>> -> memref<64x1x768xf32, #tpu.memory_space<hbm>>
      %dma_start3A_186 = tpu.memref_squeeze %dma_start3A_185 : memref<64x1x768xf32, #tpu.memory_space<hbm>> -> memref<64x768xf32, #tpu.memory_space<hbm>>
      %dma_start3A_187 = arith.constant 0 : i32
      %dma_start3A_188 = tpu.memref_slice %arg3[%add3A_139, %dma_start3A_181, %dma_start3A_187] : memref<8192x4x768xf32, #tpu.memory_space<hbm>> -> memref<64x1x768xf32, #tpu.memory_space<hbm>>
      %dma_start3A_189 = tpu.memref_squeeze %dma_start3A_188 : memref<64x1x768xf32, #tpu.memory_space<hbm>> -> memref<64x768xf32, #tpu.memory_space<hbm>>
      %dma_start3A_190 = arith.constant 0 : i32
      %dma_start3A_191 = tpu.memref_slice %arg4[%mul3A_180, %dma_start3A_190] : memref<128x768xf32, #tpu.memory_space<vmem>> -> memref<64x768xf32, #tpu.memory_space<vmem>>
      tpu.enqueue_dma source(%dma_start3A_191 : memref<64x768xf32, #tpu.memory_space<vmem>>) target(%dma_start3A_189 : memref<64x768xf32, #tpu.memory_space<hbm>>) target_semaphore(%arg6 : memref<!tpu.dma_semaphore, #tpu.memory_space<semaphore_mem>>)
      %jit3A_192 = arith.constant 2 : i32
      %eq3A_193 = arith.constant 0 : i32
      %eq3A_194 = arith.cmpi eq, %jit3A_192, %eq3A_193 : i32
      %jit3A_195 = arith.constant 1 : i32
      %select_n3A_196 = arith.select %eq3A_194, %jit3A_195, %jit3A_192 : i32
      %rem3A_197 = arith.remsi %scan3A_122, %select_n3A_196 : i32
      %ne3A_198 = arith.constant 0 : i32
      %ne3A_199 = arith.cmpi ne, %rem3A_197, %ne3A_198 : i32
      %lt3A_200 = arith.constant 0 : i32
      %lt3A_201 = arith.cmpi slt, %rem3A_197, %lt3A_200 : i32
      %lt3A_202 = arith.constant 0 : i32
      %lt3A_203 = arith.cmpi slt, %select_n3A_196, %lt3A_202 : i32
      %ne3A_204 = arith.xori %lt3A_201, %lt3A_203 : i1
      %and3A_205 = arith.andi %ne3A_204, %ne3A_199 : i1
      %add3A_206 = arith.addi %rem3A_197, %select_n3A_196 : i32
      %select_n3A_207 = arith.select %and3A_205, %add3A_206, %rem3A_197 : i32
      %mul3A_208 = arith.constant 64 : i32
      %mul3A_209 = arith.muli %select_n3A_207, %mul3A_208 : i32
      %dma_start3A_210 = arith.constant 2 : i32
      %dma_start3A_211 = arith.constant 0 : i32
      %dma_start3A_212 = tpu.memref_slice %arg4[%mul3A_209, %dma_start3A_211] : memref<128x768xf32, #tpu.memory_space<vmem>> -> memref<64x768xf32, #tpu.memory_space<vmem>>
      %dma_start3A_213 = arith.constant 0 : i32
      %dma_start3A_214 = tpu.memref_slice %arg3[%add3A_139, %dma_start3A_210, %dma_start3A_213] : memref<8192x4x768xf32, #tpu.memory_space<hbm>> -> memref<64x1x768xf32, #tpu.memory_space<hbm>>
      %dma_start3A_215 = tpu.memref_squeeze %dma_start3A_214 : memref<64x1x768xf32, #tpu.memory_space<hbm>> -> memref<64x768xf32, #tpu.memory_space<hbm>>
      %dma_start3A_216 = arith.constant 0 : i32
      %dma_start3A_217 = tpu.memref_slice %arg3[%add3A_139, %dma_start3A_210, %dma_start3A_216] : memref<8192x4x768xf32, #tpu.memory_space<hbm>> -> memref<64x1x768xf32, #tpu.memory_space<hbm>>
      %dma_start3A_218 = tpu.memref_squeeze %dma_start3A_217 : memref<64x1x768xf32, #tpu.memory_space<hbm>> -> memref<64x768xf32, #tpu.memory_space<hbm>>
      %dma_start3A_219 = arith.constant 0 : i32
      %dma_start3A_220 = tpu.memref_slice %arg4[%mul3A_209, %dma_start3A_219] : memref<128x768xf32, #tpu.memory_space<vmem>> -> memref<64x768xf32, #tpu.memory_space<vmem>>
      tpu.enqueue_dma source(%dma_start3A_220 : memref<64x768xf32, #tpu.memory_space<vmem>>) target(%dma_start3A_218 : memref<64x768xf32, #tpu.memory_space<hbm>>) target_semaphore(%arg6 : memref<!tpu.dma_semaphore, #tpu.memory_space<semaphore_mem>>)
      %jit3A_221 = arith.constant 2 : i32
      %eq3A_222 = arith.constant 0 : i32
      %eq3A_223 = arith.cmpi eq, %jit3A_221, %eq3A_222 : i32
      %jit3A_224 = arith.constant 1 : i32
      %select_n3A_225 = arith.select %eq3A_223, %jit3A_224, %jit3A_221 : i32
      %rem3A_226 = arith.remsi %scan3A_122, %select_n3A_225 : i32
      %ne3A_227 = arith.constant 0 : i32
      %ne3A_228 = arith.cmpi ne, %rem3A_226, %ne3A_227 : i32
      %lt3A_229 = arith.constant 0 : i32
      %lt3A_230 = arith.cmpi slt, %rem3A_226, %lt3A_229 : i32
      %lt3A_231 = arith.constant 0 : i32
      %lt3A_232 = arith.cmpi slt, %select_n3A_225, %lt3A_231 : i32
      %ne3A_233 = arith.xori %lt3A_230, %lt3A_232 : i1
      %and3A_234 = arith.andi %ne3A_233, %ne3A_228 : i1
      %add3A_235 = arith.addi %rem3A_226, %select_n3A_225 : i32
      %select_n3A_236 = arith.select %and3A_234, %add3A_235, %rem3A_226 : i32
      %mul3A_237 = arith.constant 64 : i32
      %mul3A_238 = arith.muli %select_n3A_236, %mul3A_237 : i32
      %dma_start3A_239 = arith.constant 3 : i32
      %dma_start3A_240 = arith.constant 0 : i32
      %dma_start3A_241 = tpu.memref_slice %arg4[%mul3A_238, %dma_start3A_240] : memref<128x768xf32, #tpu.memory_space<vmem>> -> memref<64x768xf32, #tpu.memory_space<vmem>>
      %dma_start3A_242 = arith.constant 0 : i32
      %dma_start3A_243 = tpu.memref_slice %arg3[%add3A_139, %dma_start3A_239, %dma_start3A_242] : memref<8192x4x768xf32, #tpu.memory_space<hbm>> -> memref<64x1x768xf32, #tpu.memory_space<hbm>>
      %dma_start3A_244 = tpu.memref_squeeze %dma_start3A_243 : memref<64x1x768xf32, #tpu.memory_space<hbm>> -> memref<64x768xf32, #tpu.memory_space<hbm>>
      %dma_start3A_245 = arith.constant 0 : i32
      %dma_start3A_246 = tpu.memref_slice %arg3[%add3A_139, %dma_start3A_239, %dma_start3A_245] : memref<8192x4x768xf32, #tpu.memory_space<hbm>> -> memref<64x1x768xf32, #tpu.memory_space<hbm>>
      %dma_start3A_247 = tpu.memref_squeeze %dma_start3A_246 : memref<64x1x768xf32, #tpu.memory_space<hbm>> -> memref<64x768xf32, #tpu.memory_space<hbm>>
      %dma_start3A_248 = arith.constant 0 : i32
      %dma_start3A_249 = tpu.memref_slice %arg4[%mul3A_238, %dma_start3A_248] : memref<128x768xf32, #tpu.memory_space<vmem>> -> memref<64x768xf32, #tpu.memory_space<vmem>>
      tpu.enqueue_dma source(%dma_start3A_249 : memref<64x768xf32, #tpu.memory_space<vmem>>) target(%dma_start3A_247 : memref<64x768xf32, #tpu.memory_space<hbm>>) target_semaphore(%arg6 : memref<!tpu.dma_semaphore, #tpu.memory_space<semaphore_mem>>)
    }
    %scan3A_18 = arith.constant 4 : i32
    %dma_wait3A = arith.constant 0 : i32
    %dma_wait3A_19 = arith.constant 0 : i32
    %dma_wait3A_20 = arith.constant 0 : i32
    %dma_wait3A_21 = tpu.memref_slice %arg4[%dma_wait3A_19, %dma_wait3A_20] : memref<128x768xf32, #tpu.memory_space<vmem>> -> memref<64x768xf32, #tpu.memory_space<vmem>>
    %dma_wait3A_22 = arith.constant 0 : i32
    %dma_wait3A_23 = tpu.memref_slice %arg3[%mul3A_2, %dma_wait3A, %dma_wait3A_22] : memref<8192x4x768xf32, #tpu.memory_space<hbm>> -> memref<64x1x768xf32, #tpu.memory_space<hbm>>
    %dma_wait3A_24 = tpu.memref_squeeze %dma_wait3A_23 : memref<64x1x768xf32, #tpu.memory_space<hbm>> -> memref<64x768xf32, #tpu.memory_space<hbm>>
    %dma_wait3A_25 = arith.constant 0 : i32
    %dma_wait3A_26 = tpu.memref_slice %arg3[%mul3A_2, %dma_wait3A, %dma_wait3A_25] : memref<8192x4x768xf32, #tpu.memory_space<hbm>> -> memref<64x1x768xf32, #tpu.memory_space<hbm>>
    %dma_wait3A_27 = tpu.memref_squeeze %dma_wait3A_26 : memref<64x1x768xf32, #tpu.memory_space<hbm>> -> memref<64x768xf32, #tpu.memory_space<hbm>>
    %dma_wait3A_28 = arith.constant 0 : i32
    %dma_wait3A_29 = arith.constant 0 : i32
    %dma_wait3A_30 = tpu.memref_slice %arg4[%dma_wait3A_28, %dma_wait3A_29] : memref<128x768xf32, #tpu.memory_space<vmem>> -> memref<64x768xf32, #tpu.memory_space<vmem>>
    tpu.wait_dma2 semaphore(%arg6 : memref<!tpu.dma_semaphore, #tpu.memory_space<semaphore_mem>>) src(%dma_wait3A_30 : memref<64x768xf32, #tpu.memory_space<vmem>>) dst(%dma_wait3A_27 : memref<64x768xf32, #tpu.memory_space<hbm>>)
    %dma_wait3A_31 = arith.constant 1 : i32
    %dma_wait3A_32 = arith.constant 0 : i32
    %dma_wait3A_33 = arith.constant 0 : i32
    %dma_wait3A_34 = tpu.memref_slice %arg4[%dma_wait3A_32, %dma_wait3A_33] : memref<128x768xf32, #tpu.memory_space<vmem>> -> memref<64x768xf32, #tpu.memory_space<vmem>>
    %dma_wait3A_35 = arith.constant 0 : i32
    %dma_wait3A_36 = tpu.memref_slice %arg3[%mul3A_2, %dma_wait3A_31, %dma_wait3A_35] : memref<8192x4x768xf32, #tpu.memory_space<hbm>> -> memref<64x1x768xf32, #tpu.memory_space<hbm>>
    %dma_wait3A_37 = tpu.memref_squeeze %dma_wait3A_36 : memref<64x1x768xf32, #tpu.memory_space<hbm>> -> memref<64x768xf32, #tpu.memory_space<hbm>>
    %dma_wait3A_38 = arith.constant 0 : i32
    %dma_wait3A_39 = tpu.memref_slice %arg3[%mul3A_2, %dma_wait3A_31, %dma_wait3A_38] : memref<8192x4x768xf32, #tpu.memory_space<hbm>> -> memref<64x1x768xf32, #tpu.memory_space<hbm>>
    %dma_wait3A_40 = tpu.memref_squeeze %dma_wait3A_39 : memref<64x1x768xf32, #tpu.memory_space<hbm>> -> memref<64x768xf32, #tpu.memory_space<hbm>>
    %dma_wait3A_41 = arith.constant 0 : i32
    %dma_wait3A_42 = arith.constant 0 : i32
    %dma_wait3A_43 = tpu.memref_slice %arg4[%dma_wait3A_41, %dma_wait3A_42] : memref<128x768xf32, #tpu.memory_space<vmem>> -> memref<64x768xf32, #tpu.memory_space<vmem>>
    tpu.wait_dma2 semaphore(%arg6 : memref<!tpu.dma_semaphore, #tpu.memory_space<semaphore_mem>>) src(%dma_wait3A_43 : memref<64x768xf32, #tpu.memory_space<vmem>>) dst(%dma_wait3A_40 : memref<64x768xf32, #tpu.memory_space<hbm>>)
    %dma_wait3A_44 = arith.constant 2 : i32
    %dma_wait3A_45 = arith.constant 0 : i32
    %dma_wait3A_46 = arith.constant 0 : i32
    %dma_wait3A_47 = tpu.memref_slice %arg4[%dma_wait3A_45, %dma_wait3A_46] : memref<128x768xf32, #tpu.memory_space<vmem>> -> memref<64x768xf32, #tpu.memory_space<vmem>>
    %dma_wait3A_48 = arith.constant 0 : i32
    %dma_wait3A_49 = tpu.memref_slice %arg3[%mul3A_2, %dma_wait3A_44, %dma_wait3A_48] : memref<8192x4x768xf32, #tpu.memory_space<hbm>> -> memref<64x1x768xf32, #tpu.memory_space<hbm>>
    %dma_wait3A_50 = tpu.memref_squeeze %dma_wait3A_49 : memref<64x1x768xf32, #tpu.memory_space<hbm>> -> memref<64x768xf32, #tpu.memory_space<hbm>>
    %dma_wait3A_51 = arith.constant 0 : i32
    %dma_wait3A_52 = tpu.memref_slice %arg3[%mul3A_2, %dma_wait3A_44, %dma_wait3A_51] : memref<8192x4x768xf32, #tpu.memory_space<hbm>> -> memref<64x1x768xf32, #tpu.memory_space<hbm>>
    %dma_wait3A_53 = tpu.memref_squeeze %dma_wait3A_52 : memref<64x1x768xf32, #tpu.memory_space<hbm>> -> memref<64x768xf32, #tpu.memory_space<hbm>>
    %dma_wait3A_54 = arith.constant 0 : i32
    %dma_wait3A_55 = arith.constant 0 : i32
    %dma_wait3A_56 = tpu.memref_slice %arg4[%dma_wait3A_54, %dma_wait3A_55] : memref<128x768xf32, #tpu.memory_space<vmem>> -> memref<64x768xf32, #tpu.memory_space<vmem>>
    tpu.wait_dma2 semaphore(%arg6 : memref<!tpu.dma_semaphore, #tpu.memory_space<semaphore_mem>>) src(%dma_wait3A_56 : memref<64x768xf32, #tpu.memory_space<vmem>>) dst(%dma_wait3A_53 : memref<64x768xf32, #tpu.memory_space<hbm>>)
    %dma_wait3A_57 = arith.constant 3 : i32
    %dma_wait3A_58 = arith.constant 0 : i32
    %dma_wait3A_59 = arith.constant 0 : i32
    %dma_wait3A_60 = tpu.memref_slice %arg4[%dma_wait3A_58, %dma_wait3A_59] : memref<128x768xf32, #tpu.memory_space<vmem>> -> memref<64x768xf32, #tpu.memory_space<vmem>>
    %dma_wait3A_61 = arith.constant 0 : i32
    %dma_wait3A_62 = tpu.memref_slice %arg3[%mul3A_2, %dma_wait3A_57, %dma_wait3A_61] : memref<8192x4x768xf32, #tpu.memory_space<hbm>> -> memref<64x1x768xf32, #tpu.memory_space<hbm>>
    %dma_wait3A_63 = tpu.memref_squeeze %dma_wait3A_62 : memref<64x1x768xf32, #tpu.memory_space<hbm>> -> memref<64x768xf32, #tpu.memory_space<hbm>>
    %dma_wait3A_64 = arith.constant 0 : i32
    %dma_wait3A_65 = tpu.memref_slice %arg3[%mul3A_2, %dma_wait3A_57, %dma_wait3A_64] : memref<8192x4x768xf32, #tpu.memory_space<hbm>> -> memref<64x1x768xf32, #tpu.memory_space<hbm>>
    %dma_wait3A_66 = tpu.memref_squeeze %dma_wait3A_65 : memref<64x1x768xf32, #tpu.memory_space<hbm>> -> memref<64x768xf32, #tpu.memory_space<hbm>>
    %dma_wait3A_67 = arith.constant 0 : i32
    %dma_wait3A_68 = arith.constant 0 : i32
    %dma_wait3A_69 = tpu.memref_slice %arg4[%dma_wait3A_67, %dma_wait3A_68] : memref<128x768xf32, #tpu.memory_space<vmem>> -> memref<64x768xf32, #tpu.memory_space<vmem>>
    tpu.wait_dma2 semaphore(%arg6 : memref<!tpu.dma_semaphore, #tpu.memory_space<semaphore_mem>>) src(%dma_wait3A_69 : memref<64x768xf32, #tpu.memory_space<vmem>>) dst(%dma_wait3A_66 : memref<64x768xf32, #tpu.memory_space<hbm>>)
    %dma_wait3A_70 = arith.constant 0 : i32
    %dma_wait3A_71 = arith.constant 0 : i32
    %dma_wait3A_72 = arith.constant 0 : i32
    %dma_wait3A_73 = tpu.memref_slice %arg4[%dma_wait3A_71, %dma_wait3A_72] : memref<128x768xf32, #tpu.memory_space<vmem>> -> memref<64x768xf32, #tpu.memory_space<vmem>>
    %dma_wait3A_74 = arith.constant 0 : i32
    %dma_wait3A_75 = tpu.memref_slice %arg3[%mul3A_2, %dma_wait3A_70, %dma_wait3A_74] : memref<8192x4x768xf32, #tpu.memory_space<hbm>> -> memref<64x1x768xf32, #tpu.memory_space<hbm>>
    %dma_wait3A_76 = tpu.memref_squeeze %dma_wait3A_75 : memref<64x1x768xf32, #tpu.memory_space<hbm>> -> memref<64x768xf32, #tpu.memory_space<hbm>>
    %dma_wait3A_77 = arith.constant 0 : i32
    %dma_wait3A_78 = tpu.memref_slice %arg3[%mul3A_2, %dma_wait3A_70, %dma_wait3A_77] : memref<8192x4x768xf32, #tpu.memory_space<hbm>> -> memref<64x1x768xf32, #tpu.memory_space<hbm>>
    %dma_wait3A_79 = tpu.memref_squeeze %dma_wait3A_78 : memref<64x1x768xf32, #tpu.memory_space<hbm>> -> memref<64x768xf32, #tpu.memory_space<hbm>>
    %dma_wait3A_80 = arith.constant 0 : i32
    %dma_wait3A_81 = arith.constant 0 : i32
    %dma_wait3A_82 = tpu.memref_slice %arg4[%dma_wait3A_80, %dma_wait3A_81] : memref<128x768xf32, #tpu.memory_space<vmem>> -> memref<64x768xf32, #tpu.memory_space<vmem>>
    tpu.wait_dma2 semaphore(%arg6 : memref<!tpu.dma_semaphore, #tpu.memory_space<semaphore_mem>>) src(%dma_wait3A_82 : memref<64x768xf32, #tpu.memory_space<vmem>>) dst(%dma_wait3A_79 : memref<64x768xf32, #tpu.memory_space<hbm>>)
    %dma_wait3A_83 = arith.constant 1 : i32
    %dma_wait3A_84 = arith.constant 0 : i32
    %dma_wait3A_85 = arith.constant 0 : i32
    %dma_wait3A_86 = tpu.memref_slice %arg4[%dma_wait3A_84, %dma_wait3A_85] : memref<128x768xf32, #tpu.memory_space<vmem>> -> memref<64x768xf32, #tpu.memory_space<vmem>>
    %dma_wait3A_87 = arith.constant 0 : i32
    %dma_wait3A_88 = tpu.memref_slice %arg3[%mul3A_2, %dma_wait3A_83, %dma_wait3A_87] : memref<8192x4x768xf32, #tpu.memory_space<hbm>> -> memref<64x1x768xf32, #tpu.memory_space<hbm>>
    %dma_wait3A_89 = tpu.memref_squeeze %dma_wait3A_88 : memref<64x1x768xf32, #tpu.memory_space<hbm>> -> memref<64x768xf32, #tpu.memory_space<hbm>>
    %dma_wait3A_90 = arith.constant 0 : i32
    %dma_wait3A_91 = tpu.memref_slice %arg3[%mul3A_2, %dma_wait3A_83, %dma_wait3A_90] : memref<8192x4x768xf32, #tpu.memory_space<hbm>> -> memref<64x1x768xf32, #tpu.memory_space<hbm>>
    %dma_wait3A_92 = tpu.memref_squeeze %dma_wait3A_91 : memref<64x1x768xf32, #tpu.memory_space<hbm>> -> memref<64x768xf32, #tpu.memory_space<hbm>>
    %dma_wait3A_93 = arith.constant 0 : i32
    %dma_wait3A_94 = arith.constant 0 : i32
    %dma_wait3A_95 = tpu.memref_slice %arg4[%dma_wait3A_93, %dma_wait3A_94] : memref<128x768xf32, #tpu.memory_space<vmem>> -> memref<64x768xf32, #tpu.memory_space<vmem>>
    tpu.wait_dma2 semaphore(%arg6 : memref<!tpu.dma_semaphore, #tpu.memory_space<semaphore_mem>>) src(%dma_wait3A_95 : memref<64x768xf32, #tpu.memory_space<vmem>>) dst(%dma_wait3A_92 : memref<64x768xf32, #tpu.memory_space<hbm>>)
    %dma_wait3A_96 = arith.constant 2 : i32
    %dma_wait3A_97 = arith.constant 0 : i32
    %dma_wait3A_98 = arith.constant 0 : i32
    %dma_wait3A_99 = tpu.memref_slice %arg4[%dma_wait3A_97, %dma_wait3A_98] : memref<128x768xf32, #tpu.memory_space<vmem>> -> memref<64x768xf32, #tpu.memory_space<vmem>>
    %dma_wait3A_100 = arith.constant 0 : i32
    %dma_wait3A_101 = tpu.memref_slice %arg3[%mul3A_2, %dma_wait3A_96, %dma_wait3A_100] : memref<8192x4x768xf32, #tpu.memory_space<hbm>> -> memref<64x1x768xf32, #tpu.memory_space<hbm>>
    %dma_wait3A_102 = tpu.memref_squeeze %dma_wait3A_101 : memref<64x1x768xf32, #tpu.memory_space<hbm>> -> memref<64x768xf32, #tpu.memory_space<hbm>>
    %dma_wait3A_103 = arith.constant 0 : i32
    %dma_wait3A_104 = tpu.memref_slice %arg3[%mul3A_2, %dma_wait3A_96, %dma_wait3A_103] : memref<8192x4x768xf32, #tpu.memory_space<hbm>> -> memref<64x1x768xf32, #tpu.memory_space<hbm>>
    %dma_wait3A_105 = tpu.memref_squeeze %dma_wait3A_104 : memref<64x1x768xf32, #tpu.memory_space<hbm>> -> memref<64x768xf32, #tpu.memory_space<hbm>>
    %dma_wait3A_106 = arith.constant 0 : i32
    %dma_wait3A_107 = arith.constant 0 : i32
    %dma_wait3A_108 = tpu.memref_slice %arg4[%dma_wait3A_106, %dma_wait3A_107] : memref<128x768xf32, #tpu.memory_space<vmem>> -> memref<64x768xf32, #tpu.memory_space<vmem>>
    tpu.wait_dma2 semaphore(%arg6 : memref<!tpu.dma_semaphore, #tpu.memory_space<semaphore_mem>>) src(%dma_wait3A_108 : memref<64x768xf32, #tpu.memory_space<vmem>>) dst(%dma_wait3A_105 : memref<64x768xf32, #tpu.memory_space<hbm>>)
    %dma_wait3A_109 = arith.constant 3 : i32
    %dma_wait3A_110 = arith.constant 0 : i32
    %dma_wait3A_111 = arith.constant 0 : i32
    %dma_wait3A_112 = tpu.memref_slice %arg4[%dma_wait3A_110, %dma_wait3A_111] : memref<128x768xf32, #tpu.memory_space<vmem>> -> memref<64x768xf32, #tpu.memory_space<vmem>>
    %dma_wait3A_113 = arith.constant 0 : i32
    %dma_wait3A_114 = tpu.memref_slice %arg3[%mul3A_2, %dma_wait3A_109, %dma_wait3A_113] : memref<8192x4x768xf32, #tpu.memory_space<hbm>> -> memref<64x1x768xf32, #tpu.memory_space<hbm>>
    %dma_wait3A_115 = tpu.memref_squeeze %dma_wait3A_114 : memref<64x1x768xf32, #tpu.memory_space<hbm>> -> memref<64x768xf32, #tpu.memory_space<hbm>>
    %dma_wait3A_116 = arith.constant 0 : i32
    %dma_wait3A_117 = tpu.memref_slice %arg3[%mul3A_2, %dma_wait3A_109, %dma_wait3A_116] : memref<8192x4x768xf32, #tpu.memory_space<hbm>> -> memref<64x1x768xf32, #tpu.memory_space<hbm>>
    %dma_wait3A_118 = tpu.memref_squeeze %dma_wait3A_117 : memref<64x1x768xf32, #tpu.memory_space<hbm>> -> memref<64x768xf32, #tpu.memory_space<hbm>>
    %dma_wait3A_119 = arith.constant 0 : i32
    %dma_wait3A_120 = arith.constant 0 : i32
    %dma_wait3A_121 = tpu.memref_slice %arg4[%dma_wait3A_119, %dma_wait3A_120] : memref<128x768xf32, #tpu.memory_space<vmem>> -> memref<64x768xf32, #tpu.memory_space<vmem>>
    tpu.wait_dma2 semaphore(%arg6 : memref<!tpu.dma_semaphore, #tpu.memory_space<semaphore_mem>>) src(%dma_wait3A_121 : memref<64x768xf32, #tpu.memory_space<vmem>>) dst(%dma_wait3A_118 : memref<64x768xf32, #tpu.memory_space<hbm>>)
    return
  }
}

</mosaic_0001>

<sc_bundles>
// kernel: kernel.3.cloned.1.call-start
scs
__scs_entry_jumppad:
0x0: {  	(pc) =	sbr.rel $0x88, $3  }
0x1: {  	(tag) =	ssettag $0x0;
	lr =	simm.s32 $0x1  }
0x2: {  	[smem:$0x3FA0] =	sst lr;
	_ =	strace $0xD0000000  }
0x3: {  	_ = 	snop  }
0x4: {  	_ = 	snop  }
0x5: {  	_ = 	snop  }
0x6: {  	_ = 	snop  }
0x7: {  	_ = 	snop  }
__scs_overlays_trampoline_lowered:
0x8: {  	[smem:$0x3FAF] =	sst s0  }
0x9: {  	[smem:$0x3FB0] =	sst s1  }
0xa: {  	[smem:$0x3FB1] =	sst s2  }
0xb: {  	[smem:$0x3FB2] =	sst s3  }
0xc: {  	[smem:$0x3FB3] =	sst s4  }
0xd: {  	[smem:$0x3FB4] =	sst s5  }
0xe: {  	[smem:$0x3FB5] =	sst s6  }
0xf: {  	[smem:$0x3FB6] =	sst s7  }
0x10: {  	[smem:$0x3FB7] =	sst s8  }
0x11: {  	[smem:$0x3FB8] =	sst s9;
	s0 =	simm.s32 @!p0 $0x0  }
0x12: {  	s1 =	sld [smem:$0x3F9E];
	s0 =	simm.s32 @p0 $0x1  }
0x13: {  	[smem:$0x3FB9] =	sst s0;
	s0 =	simm.s32 @!p1 $0x0  }
0x14: {  	s2 =	sld [smem:$0x3F9D];
	s0 =	simm.s32 @p1 $0x1  }
0x15: {  	[smem:$0x3FBA] =	sst s0;
	s0 =	simm.s32 @!p2 $0x0  }
0x16: {  	s3 =	sld [smem:$0x3FDB];
	s0 =	simm.s32 @p2 $0x1  }
0x17: {  	s4 =	simm.s32 $0x1BF5;
	[smem:$0x3FBC] =	sst s0  }
0x18: {  	s0 =	sld [smem:$0x3F9F];
	_ =	swait.ge [sflag:s4], $0x0  }
0x19: {  	s7 =	sld [smem:$0x3FA0]  }
0x1a: {  	s8 =	sadd.s32 $0xFFFFE003, lr  }
0x1b: {  	s9 =	sadd.s32 $0xFFFFFEF7, lr;
	s5 =	simm.s32 $0xFFFFFFFF;
	p2 =	slt.u32 s8, $0xFFFFF086  }
0x1c: {  	p1 =	slt.u32 s9, $0xF7A;
	s5 =	simm.s32 @!p2 $0x0  }
0x1d: {  	s5 =	simm.s32 @p1 $0x1;
	p0 =	seq.s32 s7, s2  }
0x1e: {  	s7 =	smul.u32 @!p0 $0xF7A, s2;
	p2 =	seq.s32 @!p0 s5, $0x0  }
0x1f: {  	s9 =	smul.u32 $0xF7A, s1;
	s8 =	simm.s32 @!p0 $0x1BF5;
	p2 =	por !p2, p0  }
0x20: {  	[sflag:s8] =	ssyncset.s32 @!p0 $0xFFFFF086;
	s6 =	sadd.s32 @!p0 s3, s7;
	s7 =	simm.s32 @!p0 $0x108  }
0x21: {  	s3 =	sadd.s32 s3, s9;
	s6 =	sadd.s32 @!p0 $0x88, s6;
	s7 =	simm.s32 @p2 $0x1082  }
0x22: {  	[simem:s7], [sflag:s8] =	dma.local @!p0 [hbm:s6], $0xF7A  }
0x23: {  	s9 =	sor.u32 $0xD0000000, s2;
	s6 =	simm.s32 $0x108;
	_ =	swait.ge @!p0 [sflag:s8], $0x0  }
0x24: {  	s3 =	sadd.s32 $0x88, s3;
	s6 =	simm.s32 @!p1 $0x1082;
	[sflag:s4] =	ssyncset.s32 $0xFFFFF086  }
0x25: {  	[simem:s6], [sflag:s4] =	dma.local [hbm:s3], $0xF7A  }
0x26: {  	[smem:$0x3FA0] =	sst s1;
	(tag) =	ssettag s2;
	_ =	strace s9  }
0x27: {  	s1 =	sld [smem:$0x3FB0]  }
0x28: {  	s2 =	sld [smem:$0x3FB1]  }
0x29: {  	s4 =	sld [smem:$0x3FB3]  }
0x2a: {  	p0 =	seq.s32 s5, $0x0;
	s5 =	sld [smem:$0x3FB4]  }
0x2b: {  	s6 =	sld [smem:$0x3FB5]  }
0x2c: {  	s7 =	sld [smem:$0x3FB6]  }
0x2d: {  	s3 =	simm.s32 $0x108;
	s8 =	sld [smem:$0x3FB7]  }
0x2e: {  	s3 =	simm.s32 @!p0 $0x1082;
	s9 =	sld [smem:$0x3FB8]  }
0x2f: {  	lr =	sadd.s32 s0, s3;
	s0 =	sld [smem:$0x3FAF]  }
0x30: {  	s3 =	sld [smem:$0x3FB2]  }
0x31: {  	[smem:$0x3FBB] =	sst s10  }
0x32: {  	s10 =	sld [smem:$0x3FB9];
	_ =	sdelay $0x3  }
0x33: {  	p0 =	seq.s32 s10, $0x1;
	s10 =	sld [smem:$0x3FBB];
	_ =	sdelay $0x3  }
0x34: {  	[smem:$0x3FBB] =	sst s10  }
0x35: {  	s10 =	sld [smem:$0x3FBA];
	_ =	sdelay $0x3  }
0x36: {  	p1 =	seq.s32 s10, $0x1;
	s10 =	sld [smem:$0x3FBB];
	_ =	sdelay $0x3  }
0x37: {  	[smem:$0x3FBB] =	sst s10  }
0x38: {  	s10 =	sld [smem:$0x3FBC]  }
0x39: {  	_ = 	snop;
	(pc) =	sbr.ind lr, $3  }
0x3a: {  	_ = 	snop  }
0x3b: {  	_ = 	snop  }
0x3c: {  	p2 =	seq.s32 s10, $0x1;
	s10 =	sld [smem:$0x3FBB]  }
0x3d: {  	_ =	shalt  }
0x3e: {  	_ =	shalt  }
0x3f: {  	_ =	shalt  }
0x40: {  	_ =	shalt  }
0x41: {  	_ =	shalt  }
0x42: {  	_ =	shalt  }
0x43: {  	_ =	shalt  }
0x44: {  	_ =	shalt  }
0x45: {  	_ =	shalt  }
0x46: {  	_ =	shalt  }
0x47: {  	_ =	shalt  }
0x48: {  	_ =	shalt  }
0x49: {  	_ =	shalt  }
0x4a: {  	_ =	shalt  }
0x4b: {  	_ =	shalt  }
0x4c: {  	_ =	shalt  }
0x4d: {  	_ =	shalt  }
0x4e: {  	_ =	shalt  }
0x4f: {  	_ =	shalt  }
0x50: {  	_ =	shalt  }
0x51: {  	_ =	shalt  }
0x52: {  	_ =	shalt  }
0x53: {  	_ =	shalt  }
0x54: {  	_ =	shalt  }
0x55: {  	_ =	shalt  }
0x56: {  	_ =	shalt  }
0x57: {  	_ =	shalt  }
0x58: {  	_ =	shalt  }
0x59: {  	_ =	shalt  }
0x5a: {  	_ =	shalt  }
0x5b: {  	_ =	shalt  }
0x5c: {  	_ =	shalt  }
0x5d: {  	_ =	shalt  }
0x5e: {  	_ =	shalt  }
0x5f: {  	_ =	shalt  }
0x60: {  	_ =	shalt  }
0x61: {  	_ =	shalt  }
0x62: {  	_ =	shalt  }
0x63: {  	_ =	shalt  }
0x64: {  	_ =	shalt  }
0x65: {  	_ =	shalt  }
0x66: {  	_ =	shalt  }
0x67: {  	_ =	shalt  }
0x68: {  	_ =	shalt  }
0x69: {  	_ =	shalt  }
0x6a: {  	_ =	shalt  }
0x6b: {  	_ =	shalt  }
0x6c: {  	_ =	shalt  }
0x6d: {  	_ =	shalt  }
0x6e: {  	_ =	shalt  }
0x6f: {  	_ =	shalt  }
0x70: {  	_ =	shalt  }
0x71: {  	_ =	shalt  }
0x72: {  	_ =	shalt  }
0x73: {  	_ =	shalt  }
0x74: {  	_ =	shalt  }
0x75: {  	_ =	shalt  }
0x76: {  	_ =	shalt  }
0x77: {  	_ =	shalt  }
0x78: {  	_ =	shalt  }
0x79: {  	_ =	shalt  }
0x7a: {  	_ =	shalt  }
0x7b: {  	_ =	shalt  }
0x7c: {  	_ =	shalt  }
0x7d: {  	_ =	shalt  }
0x7e: {  	_ =	shalt  }
0x7f: {  	_ =	shalt  }
0x80: {  	_ =	shalt  }
0x81: {  	_ =	shalt  }
0x82: {  	_ =	shalt  }
0x83: {  	_ =	shalt  }
0x84: {  	_ =	shalt  }
0x85: {  	_ =	shalt  }
0x86: {  	_ =	shalt  }
0x87: {  	_ =	shalt  }
.Lfunc_end0:
.L_simem_size_0:
called_computation_lowered:
.L_overlay_start_0:
0x88: {  	s2 =	sld [smem:$0x3FD9]  }
0x89: {  	s3 =	sld [smem:$0x3FFE];
	_ =	sdelay $0x1  }
0x8a: {  	s1 =	srdreg.scid  }
0x8b: {  	s0 =	sand.u32 $0x1, s1  }
0x8c: {  	s18 =	sshll.u32 s0, $0xA;
	s2 =	sadd.s32 s3, s2  }
0x8d: {  	s2 =	sadd.s32 s2, s18  }
0x8e: {  	[smem:$0x3FC7] =	sst s2  }
0x8f: {  	_ = 	snop  }
0x90: {  	s2 =	sld [smem:$0x3FC9]  }
0x91: {  	s19 =	sld [smem:$0x3FD0];
	(tm) =	ssettm $0x1  }
0x92: {  	s4 =	sld [smem:$0x3FFB];
	_ =	sdelay $0x3  }
0x93: {  	_ =	strace s4  }
0x94: {  	s4 =	sld [smem:$0x3FFC];
	_ =	sdelay $0x3  }
0x95: {  	_ =	strace s4  }
0x96: {  	s4 =	sld [smem:$0x3FFD];
	_ =	sdelay $0x3  }
0x97: {  	_ =	strace s4  }
0x98: {  	_ =	strace $0x8FFFFFFF  }
0x99: {  	s20 =	sld [smem:$0x3FDB];
	_ =	sdelay $0x1  }
0x9a: {  	s5 =	simm.s32 $_scs_section_size  }
0x9b: {  	s6 =	simm.s32 $_size__tile_overlayer_lowered;
	s7 =	simm.s32 $_tile_overlayer_lowered  }
0x9c: {  	s23 =	simm.s32 $0x1BFF;
	s22 =	sshll.u32 s7, $0x1;
	s4 =	sadd.s32 s5, s20  }
0x9d: {  	s8 =	simm.s32 $0x0;
	s21 =	sshll.u32 s6, $0x1;
	s6 =	sadd.s32 s22, s4  }
0x9e: {  	[timem:s8], [sflag:s23] =	dma.local [hbm:s6], s21  }
0x9f: {  	_ =	swait.ge [sflag:s23], s21  }
0xa0: {  	s5 =	ssub.s32 $0x0, s21;
	[sflag:s23] =	ssyncset.done $0x0  }
0xa1: {  	[sflag:s23] =	ssyncadd.s32 s5;
	_ =	sdelay $0x1  }
0xa2: {  	s24 =	simm.s32 $0x1B8B  }
0xa3: {  	_ =	swait.ge [sflag:s24], $0x1  }
0xa4: {  	[sflag:s24] =	ssyncset.done $0x0  }
0xa5: {  	s25 =	simm.s32 $0x1B8E;
	[sflag:s24] =	ssyncadd.s32 $0xFFFFFFFF  }
0xa6: {  	s26 =	simm.s32 $execute0_lowered;
	[smem:$0x3FD2] =	sst s25  }
0xa7: {  	s5 =	sshll.u32 s26, $0x1;
	_ =	strace $0x80000046;
	[dreg:$0x1] =	wrdreg $0xFFFFFFFF  }
0xa8: {  	s28 =	simm.s32 $_size_execute0_lowered;
	s4 =	sadd.s32 s4, s5;
	[dreg:$0x0] =	wrdreg $0x0  }
0xa9: {  	s5 =	sshll.u32 s28, $0x1;
	[dreg:$0x2] =	wrdreg s4  }
0xaa: {  	[dreg:$0x3] =	wrdreg s5  }
0xab: {  	[dreg:$0x4] =	wrdreg $0xC0  }
0xac: {  	_ =	task [dreg:s8], $0x5FFFF  }
0xad: {  	[dreg:$0x1] =	wrdreg $0xFFFFFFFF  }
0xae: {  	[dreg:$0x0] =	wrdreg $0x60  }
0xaf: {  	[dreg:$0x2] =	wrdreg s2  }
0xb0: {  	[dreg:$0x3] =	wrdreg s19  }
0xb1: {  	[dreg:$0x4] =	wrdreg $0x9  }
0xb2: {  	_ =	task.clear_ibuf [dreg:s8], $0x5FFFF;
	_ =	strace $0x90000046  }
0xb3: {  	s29 =	simm.s32 $0x9;
	_ =	strace $0x80000048  }
0xb4: {  	_ =	swait.ge [sflag:s29], $0x1  }
0xb5: {  	[sflag:s29] =	ssyncadd.s32 $0xFFFFFFFF  }
0xb6: {  	_ =	strace $0x90000048  }
0xb7: {  	_ =	sfence  }
0xb8: {  	s30 =	sld [smem:$0x0];
	_ =	sdelay $0x2  }
0xb9: {  	s31 =	sshll.u32 s1, $0xD;
	s1 =	sshrl.u32 s1, $0x2  }
0xba: {  	s3 =	sand.u32 $0x4000, s31;
	s1 =	sadd.s32 s1, s30  }
0xbb: {  	s0 =	sor.u32 s3, s0;
	s1 =	sshll.u32 s1, $0x11  }
0xbc: {  	s0 =	sor.u32 s1, s0  }
0xbd: {  	s0 =	sadd.s32 $0x8F2B, s0  }
0xbe: {  	[sflag:s0] =	ssyncadd.remote.s32 $0x1  }
0xbf: {  	_ =	sfence.sel $0xFFFF  }
0xc0: {  	[dreg:$0x0] =	wrdreg $0xFFFFFFFF;
	(pc) =	sbr.abs _section_cstart, $3  }
0xc1: {  	[dreg:$0x1] =	wrdreg $0xFFFFFFFF  }
0xc2: {  	_ =	task.clear_ibuf [dreg:s8], $0x2FFFF;
	_ =	strace $0x9FFFFFFF  }
0xc3: {  	(tm) =	ssettm $0x7FFFFFFF  }
tec
execute0_lowered:
.L_overlay_start_1:
0x0: {  	(tag) =	ssettag $0x1  }
0x1: {  	s1 =	srdreg.scid  }
0x2: {  	s0 =	stileid.u32;
	s2 =	rddreg [dreg:$0x0]  }
0x3: {  	s3 =	rddreg [dreg:$0x1];
	s5 =	simm.s32 $0x0;
	s11 =	simm.s32 $0x1  }
0x4: {  	s12 =	simm.s32 $0x80;
	s13 =	simm.s32 $0xC00;
	s6 =	sand.u32 $0x1, s1  }
0x5: {  	s14 =	simm.s32 $0x2;
	s4 =	sshll.u32 s0, $0x8;
	s1 =	sshll.u32 s6, $0xC  }
0x6: {  	s15 =	simm.s32 $0x0;
	[smem:$0x7FF] =	sst s5;
	s4 =	sor.u32 s4, s1  }
0x7: {  	s9 =	sadd.s32 $0x30, s3;
	s6 =	ssub.s32 $0x2, s6;
	s7 =	sshrl.u32 s4, $0x3  }
0x8: {  	s1 =	rddreg [dreg:$0x2];
	s8 =	sshrl.u32 s6, $0x1;
	s7 =	smul.u32 $0x300, s7  }
0x9: {  	_ =	strace $0x80000047;
	s10 =	ssub.s32 s6, s8;
	s8 =	sadd.s32 $0x20, s3  }
0xa: {  	s10 =	smax.u32 s10, $0x1;
	s6 =	sadd.s32 s2, s7;
	s7 =	sadd.s32 $0x10, s3  }
.LBB2_1:
0xb: {  	[tilespmem:s5], [sflag:$0x1] =	stream.linear.gather [hbm4b:s6+s5], $0xC000, $0x38;
	[tilespmem:$0x18000] =	vst v63  }
0xc: {  	p0 =	por $0x0, $0x0;
	s17 =	simm.s32 $0x0  }
.LBB2_3:
0xd: {  	p1 =	seq.s32 s17, $0x0  }
.Ltmp0:
0xe: {  	_ = 	snop;
	(pc) =	sbr.rel @p1 .LBB2_6-.Ltmp0, $4  }
0xf: {  	_ = 	snop  }
0x10: {  	_ =	swait.ge [sflag:s11], $0xC000  }
0x11: {  	[sflag:s11] =	ssyncset.done $0x0  }
0x12: {  	s16 =	sadd.s32 $0x1, s17;
	[sflag:s11] =	ssyncadd.s32 $0xFFFF4000  }
0x13: {  	p1 =	seq.s32 s17, $0x3  }
.Ltmp1:
0x14: {  	_ = 	snop;
	(pc) =	sbr.rel @p1 .LBB2_7-.Ltmp1, $1  }
0x15: {  	_ =	sdelay $0x3  }
0x16: {  	_ =	swait.ge [sflag:s14], $0xC000  }
0x17: {  	[sflag:s14] =	ssyncset.done $0x0  }
0x18: {  	[sflag:s14] =	ssyncadd.s32 $0xFFFF4000  }
0x19: {  	_ =	swait.ge [sflag:s14], $0xC000  }
0x1a: {  	[sflag:s14] =	ssyncset.done $0x0  }
0x1b: {  	[sflag:s14] =	ssyncadd.s32 $0xFFFF4000  }
0x1c: {  	_ =	swait.ge [sflag:s14], $0xC000  }
0x1d: {  	[sflag:s14] =	ssyncset.done $0x0  }
0x1e: {  	[sflag:s14] =	ssyncadd.s32 $0xFFFF4000  }
0x1f: {  	_ =	swait.ge [sflag:s14], $0xC000  }
0x20: {  	[sflag:s14] =	ssyncset.done $0x0  }
0x21: {  	[sflag:s14] =	ssyncadd.s32 $0xFFFF4000  }
.LBB2_6:
0x22: {  	s18 =	sshll.u32 s16, $0x6;
	s19 =	sshll.u32 s16, $0x3  }
0x23: {  	s18 =	sadd.s32 s4, s18;
	s19 =	sand.u32 $0x8, s19  }
0x24: {  	s18 =	sshrl.u32 s18, $0x3;
	s19 =	smul.u32 $0x6000, s19  }
0x25: {  	s18 =	smul.u32 $0x300, s18;
	_ =	sdelay $0x1  }
0x26: {  	s19 =	sshrl.u32 s19, $0x2;
	s18 =	sadd.s32 s2, s18  }
0x27: {  	[tilespmem:s19], [sflag:$0x1] =	stream.linear.gather [hbm4b:s18+s5], $0xC000, $0x38;
	[tilespmem:$0x18000] =	vst v63  }
.LBB2_7:
0x28: {  	s18 =	simm.s32 $0x1  }
0x29: {  	s17 =	sshll.u32 s17, $0x6;
	s18 =	simm.s32 @!p0 $0x0  }
0x2a: {  	s17 =	sadd.s32 s4, s17;
	s19 =	smul.u32 $0x30000, s18  }
0x2b: {  	s18 =	smul.u32 $0x180, s17;
	_ =	sdelay $0x1  }
0x2c: {  	s17 =	sshrl.u32 s19, $0x2;
	s24 =	sadd.s32 s3, s18  }
0x2d: {  	s22 =	sadd.s32 $0x0, s17;
	s21 =	sadd.s32 $0x40, s24  }
0x2e: {  	[hbm4b:s24+s12] =	stream.strided.scatter [tilespmem:s22], [sflag:$0x2], $0x400, s13, s12, $0x38;
	[tilespmem:$0x18000] =	vst v63  }
0x2f: {  	s26 =	sadd.s32 $0x80, s24;
	s29 =	sadd.s32 $0xC0, s24;
	s20 =	sadd.s32 $0x400, s22  }
0x30: {  	[hbm4b:s21+s12] =	stream.strided.scatter [tilespmem:s20], [sflag:$0x2], $0x400, s13, s12, $0x38;
	[tilespmem:$0x18000] =	vst v63  }
0x31: {  	s31 =	sadd.s32 $0x100, s24;
	s23 =	sadd.s32 $0x140, s24;
	s25 =	sadd.s32 $0x800, s22  }
0x32: {  	[hbm4b:s26+s12] =	stream.strided.scatter [tilespmem:s25], [sflag:$0x2], $0x400, s13, s12, $0x38;
	[tilespmem:$0x18000] =	vst v63  }
0x33: {  	s19 =	sadd.s32 $0xC00, s24;
	s28 =	sadd.s32 $0xC00, s22;
	s30 =	sadd.s32 $0x1000, s22  }
0x34: {  	[hbm4b:s29+s12] =	stream.strided.scatter [tilespmem:s28], [sflag:$0x2], $0x400, s13, s12, $0x38;
	[tilespmem:$0x18000] =	vst v63  }
0x35: {  	s22 =	sadd.s32 $0x1400, s22;
	s20 =	simm.s32 $0x1800;
	s21 =	simm.s32 $0xC000  }
0x36: {  	[hbm4b:s31+s12] =	stream.strided.scatter [tilespmem:s30], [sflag:$0x2], $0x400, s13, s12, $0x38;
	[tilespmem:$0x18000] =	vst v63  }
.LBB2_8:
0x37: {  	[hbm4b:s23+s12] =	stream.strided.scatter [tilespmem:s22], [sflag:$0x2], $0x400, s13, s12, $0x38;
	[tilespmem:$0x18000] =	vst v63  }
0x38: {  	s22 =	smov.u32 s21  }
0x39: {  	s24 =	sadd.s32 $0x6000, s21;
	s23 =	sadd.s32 s20, s17;
	s20 =	sshra.s32 s22, $0x2  }
0x3a: {  	[hbm4b:s19+s12] =	stream.strided.scatter [tilespmem:s23], [sflag:$0x2], $0x400, s13, s12, $0x38;
	[tilespmem:$0x18000] =	vst v63  }
0x3b: {  	p1 =	sne.s32 s21, $0x2A000;
	s21 =	sadd.s32 $0x400, s23;
	s22 =	sadd.s32 $0x40, s19  }
0x3c: {  	[hbm4b:s22+s12] =	stream.strided.scatter [tilespmem:s21], [sflag:$0x2], $0x400, s13, s12, $0x38;
	[tilespmem:$0x18000] =	vst v63  }
0x3d: {  	s21 =	sadd.s32 $0x800, s23;
	s22 =	sadd.s32 $0x80, s19  }
0x3e: {  	[hbm4b:s22+s12] =	stream.strided.scatter [tilespmem:s21], [sflag:$0x2], $0x400, s13, s12, $0x38;
	[tilespmem:$0x18000] =	vst v63  }
0x3f: {  	s21 =	sadd.s32 $0xC00, s23;
	s22 =	sadd.s32 $0xC0, s19  }
0x40: {  	[hbm4b:s22+s12] =	stream.strided.scatter [tilespmem:s21], [sflag:$0x2], $0x400, s13, s12, $0x38;
	[tilespmem:$0x18000] =	vst v63  }
.Ltmp2:
0x41: {  	_ = 	snop;
	(pc) =	sbr.rel @p1 .LBB2_8-.Ltmp2, $4  }
0x42: {  	s21 =	sadd.s32 $0x1000, s23;
	s22 =	sadd.s32 $0x100, s19  }
0x43: {  	[hbm4b:s22+s12] =	stream.strided.scatter [tilespmem:s21], [sflag:$0x2], $0x400, s13, s12, $0x38;
	[tilespmem:$0x18000] =	vst v63  }
0x44: {  	s22 =	sadd.s32 $0x1400, s23  }
0x45: {  	s23 =	sadd.s32 $0x140, s19;
	s19 =	sadd.s32 $0xC00, s19;
	s21 =	smov.u32 s24  }
0x46: {  	[hbm4b:s23+s12] =	stream.strided.scatter [tilespmem:s22], [sflag:$0x2], $0x400, s13, s12, $0x38;
	[tilespmem:$0x18000] =	vst v63  }
0x47: {  	s20 =	sadd.s32 s20, s17  }
0x48: {  	[hbm4b:s19+s12] =	stream.strided.scatter [tilespmem:s20], [sflag:$0x2], $0x400, s13, s12, $0x38;
	[tilespmem:$0x18000] =	vst v63  }
0x49: {  	s24 =	sadd.s32 $0x40, s19;
	s21 =	sadd.s32 $0x400, s20  }
0x4a: {  	[hbm4b:s24+s12] =	stream.strided.scatter [tilespmem:s21], [sflag:$0x2], $0x400, s13, s12, $0x38;
	[tilespmem:$0x18000] =	vst v63  }
0x4b: {  	s26 =	sadd.s32 $0x80, s19;
	s25 =	sadd.s32 $0x800, s20  }
0x4c: {  	[hbm4b:s26+s12] =	stream.strided.scatter [tilespmem:s25], [sflag:$0x2], $0x400, s13, s12, $0x38;
	[tilespmem:$0x18000] =	vst v63  }
0x4d: {  	s29 =	sadd.s32 $0xC0, s19;
	s28 =	sadd.s32 $0xC00, s20  }
0x4e: {  	[hbm4b:s29+s12] =	stream.strided.scatter [tilespmem:s28], [sflag:$0x2], $0x400, s13, s12, $0x38;
	[tilespmem:$0x18000] =	vst v63  }
0x4f: {  	s31 =	sadd.s32 $0x100, s19;
	s30 =	sadd.s32 $0x1000, s20  }
0x50: {  	[hbm4b:s31+s12] =	stream.strided.scatter [tilespmem:s30], [sflag:$0x2], $0x400, s13, s12, $0x38;
	[tilespmem:$0x18000] =	vst v63  }
0x51: {  	s22 =	sadd.s32 $0x140, s19;
	s20 =	sadd.s32 $0x1400, s20;
	s19 =	sadd.s32 s18, s7  }
0x52: {  	[hbm4b:s22+s12] =	stream.strided.scatter [tilespmem:s20], [sflag:$0x2], $0x400, s13, s12, $0x38;
	[tilespmem:$0x18000] =	vst v63  }
0x53: {  	s24 =	sadd.s32 $0x40, s19;
	s22 =	sadd.s32 $0x0, s17  }
0x54: {  	[hbm4b:s19+s12] =	stream.strided.scatter [tilespmem:s22], [sflag:$0x2], $0x400, s13, s12, $0x38;
	[tilespmem:$0x18000] =	vst v63  }
0x55: {  	s21 =	simm.s32 $0xC000;
	s26 =	sadd.s32 $0x80, s19;
	s23 =	sadd.s32 $0x400, s22  }
0x56: {  	[hbm4b:s24+s12] =	stream.strided.scatter [tilespmem:s23], [sflag:$0x2], $0x400, s13, s12, $0x38;
	[tilespmem:$0x18000] =	vst v63  }
0x57: {  	s29 =	sadd.s32 $0xC0, s19;
	s31 =	sadd.s32 $0x100, s19;
	s25 =	sadd.s32 $0x800, s22  }
0x58: {  	[hbm4b:s26+s12] =	stream.strided.scatter [tilespmem:s25], [sflag:$0x2], $0x400, s13, s12, $0x38;
	[tilespmem:$0x18000] =	vst v63  }
0x59: {  	s20 =	simm.s32 $0x1800;
	s28 =	sadd.s32 $0xC00, s22;
	s30 =	sadd.s32 $0x1000, s22  }
0x5a: {  	[hbm4b:s29+s12] =	stream.strided.scatter [tilespmem:s28], [sflag:$0x2], $0x400, s13, s12, $0x38;
	[tilespmem:$0x18000] =	vst v63  }
0x5b: {  	s22 =	sadd.s32 $0x1400, s22;
	s23 =	sadd.s32 $0x140, s19;
	s19 =	sadd.s32 $0xC00, s19  }
0x5c: {  	[hbm4b:s31+s12] =	stream.strided.scatter [tilespmem:s30], [sflag:$0x2], $0x400, s13, s12, $0x38;
	[tilespmem:$0x18000] =	vst v63  }
.LBB2_10:
0x5d: {  	[hbm4b:s23+s12] =	stream.strided.scatter [tilespmem:s22], [sflag:$0x2], $0x400, s13, s12, $0x38;
	[tilespmem:$0x18000] =	vst v63  }
0x5e: {  	s22 =	smov.u32 s21  }
0x5f: {  	s24 =	sadd.s32 $0x6000, s21;
	s23 =	sadd.s32 s20, s17;
	s20 =	sshra.s32 s22, $0x2  }
0x60: {  	[hbm4b:s19+s12] =	stream.strided.scatter [tilespmem:s23], [sflag:$0x2], $0x400, s13, s12, $0x38;
	[tilespmem:$0x18000] =	vst v63  }
0x61: {  	p1 =	sne.s32 s21, $0x2A000;
	s21 =	sadd.s32 $0x400, s23;
	s22 =	sadd.s32 $0x40, s19  }
0x62: {  	[hbm4b:s22+s12] =	stream.strided.scatter [tilespmem:s21], [sflag:$0x2], $0x400, s13, s12, $0x38;
	[tilespmem:$0x18000] =	vst v63  }
0x63: {  	s21 =	sadd.s32 $0x800, s23;
	s22 =	sadd.s32 $0x80, s19  }
0x64: {  	[hbm4b:s22+s12] =	stream.strided.scatter [tilespmem:s21], [sflag:$0x2], $0x400, s13, s12, $0x38;
	[tilespmem:$0x18000] =	vst v63  }
0x65: {  	s21 =	sadd.s32 $0xC00, s23;
	s22 =	sadd.s32 $0xC0, s19  }
0x66: {  	[hbm4b:s22+s12] =	stream.strided.scatter [tilespmem:s21], [sflag:$0x2], $0x400, s13, s12, $0x38;
	[tilespmem:$0x18000] =	vst v63  }
.Ltmp3:
0x67: {  	_ = 	snop;
	(pc) =	sbr.rel @p1 .LBB2_10-.Ltmp3, $4  }
0x68: {  	s21 =	sadd.s32 $0x1000, s23;
	s22 =	sadd.s32 $0x100, s19  }
0x69: {  	[hbm4b:s22+s12] =	stream.strided.scatter [tilespmem:s21], [sflag:$0x2], $0x400, s13, s12, $0x38;
	[tilespmem:$0x18000] =	vst v63  }
0x6a: {  	s22 =	sadd.s32 $0x1400, s23  }
0x6b: {  	s23 =	sadd.s32 $0x140, s19;
	s19 =	sadd.s32 $0xC00, s19;
	s21 =	smov.u32 s24  }
0x6c: {  	[hbm4b:s23+s12] =	stream.strided.scatter [tilespmem:s22], [sflag:$0x2], $0x400, s13, s12, $0x38;
	[tilespmem:$0x18000] =	vst v63  }
0x6d: {  	s20 =	sadd.s32 s20, s17  }
0x6e: {  	[hbm4b:s19+s12] =	stream.strided.scatter [tilespmem:s20], [sflag:$0x2], $0x400, s13, s12, $0x38;
	[tilespmem:$0x18000] =	vst v63  }
0x6f: {  	s24 =	sadd.s32 $0x40, s19;
	s21 =	sadd.s32 $0x400, s20  }
0x70: {  	[hbm4b:s24+s12] =	stream.strided.scatter [tilespmem:s21], [sflag:$0x2], $0x400, s13, s12, $0x38;
	[tilespmem:$0x18000] =	vst v63  }
0x71: {  	s26 =	sadd.s32 $0x80, s19;
	s25 =	sadd.s32 $0x800, s20  }
0x72: {  	[hbm4b:s26+s12] =	stream.strided.scatter [tilespmem:s25], [sflag:$0x2], $0x400, s13, s12, $0x38;
	[tilespmem:$0x18000] =	vst v63  }
0x73: {  	s29 =	sadd.s32 $0xC0, s19;
	s28 =	sadd.s32 $0xC00, s20  }
0x74: {  	[hbm4b:s29+s12] =	stream.strided.scatter [tilespmem:s28], [sflag:$0x2], $0x400, s13, s12, $0x38;
	[tilespmem:$0x18000] =	vst v63  }
0x75: {  	s31 =	sadd.s32 $0x100, s19;
	s30 =	sadd.s32 $0x1000, s20  }
0x76: {  	[hbm4b:s31+s12] =	stream.strided.scatter [tilespmem:s30], [sflag:$0x2], $0x400, s13, s12, $0x38;
	[tilespmem:$0x18000] =	vst v63  }
0x77: {  	s22 =	sadd.s32 $0x140, s19;
	s20 =	sadd.s32 $0x1400, s20;
	s19 =	sadd.s32 s18, s8  }
0x78: {  	[hbm4b:s22+s12] =	stream.strided.scatter [tilespmem:s20], [sflag:$0x2], $0x400, s13, s12, $0x38;
	[tilespmem:$0x18000] =	vst v63  }
0x79: {  	s24 =	sadd.s32 $0x40, s19;
	s22 =	sadd.s32 $0x0, s17  }
0x7a: {  	[hbm4b:s19+s12] =	stream.strided.scatter [tilespmem:s22], [sflag:$0x2], $0x400, s13, s12, $0x38;
	[tilespmem:$0x18000] =	vst v63  }
0x7b: {  	s21 =	simm.s32 $0xC000;
	s26 =	sadd.s32 $0x80, s19;
	s23 =	sadd.s32 $0x400, s22  }
0x7c: {  	[hbm4b:s24+s12] =	stream.strided.scatter [tilespmem:s23], [sflag:$0x2], $0x400, s13, s12, $0x38;
	[tilespmem:$0x18000] =	vst v63  }
0x7d: {  	s29 =	sadd.s32 $0xC0, s19;
	s31 =	sadd.s32 $0x100, s19;
	s25 =	sadd.s32 $0x800, s22  }
0x7e: {  	[hbm4b:s26+s12] =	stream.strided.scatter [tilespmem:s25], [sflag:$0x2], $0x400, s13, s12, $0x38;
	[tilespmem:$0x18000] =	vst v63  }
0x7f: {  	s20 =	simm.s32 $0x1800;
	s28 =	sadd.s32 $0xC00, s22;
	s30 =	sadd.s32 $0x1000, s22  }
0x80: {  	[hbm4b:s29+s12] =	stream.strided.scatter [tilespmem:s28], [sflag:$0x2], $0x400, s13, s12, $0x38;
	[tilespmem:$0x18000] =	vst v63  }
0x81: {  	s22 =	sadd.s32 $0x1400, s22;
	s23 =	sadd.s32 $0x140, s19;
	s19 =	sadd.s32 $0xC00, s19  }
0x82: {  	[hbm4b:s31+s12] =	stream.strided.scatter [tilespmem:s30], [sflag:$0x2], $0x400, s13, s12, $0x38;
	[tilespmem:$0x18000] =	vst v63  }
.LBB2_12:
0x83: {  	[hbm4b:s23+s12] =	stream.strided.scatter [tilespmem:s22], [sflag:$0x2], $0x400, s13, s12, $0x38;
	[tilespmem:$0x18000] =	vst v63  }
0x84: {  	s22 =	smov.u32 s21  }
0x85: {  	s24 =	sadd.s32 $0x6000, s21;
	s23 =	sadd.s32 s20, s17;
	s20 =	sshra.s32 s22, $0x2  }
0x86: {  	[hbm4b:s19+s12] =	stream.strided.scatter [tilespmem:s23], [sflag:$0x2], $0x400, s13, s12, $0x38;
	[tilespmem:$0x18000] =	vst v63  }
0x87: {  	p1 =	sne.s32 s21, $0x2A000;
	s21 =	sadd.s32 $0x400, s23;
	s22 =	sadd.s32 $0x40, s19  }
0x88: {  	[hbm4b:s22+s12] =	stream.strided.scatter [tilespmem:s21], [sflag:$0x2], $0x400, s13, s12, $0x38;
	[tilespmem:$0x18000] =	vst v63  }
0x89: {  	s21 =	sadd.s32 $0x800, s23;
	s22 =	sadd.s32 $0x80, s19  }
0x8a: {  	[hbm4b:s22+s12] =	stream.strided.scatter [tilespmem:s21], [sflag:$0x2], $0x400, s13, s12, $0x38;
	[tilespmem:$0x18000] =	vst v63  }
0x8b: {  	s21 =	sadd.s32 $0xC00, s23;
	s22 =	sadd.s32 $0xC0, s19  }
0x8c: {  	[hbm4b:s22+s12] =	stream.strided.scatter [tilespmem:s21], [sflag:$0x2], $0x400, s13, s12, $0x38;
	[tilespmem:$0x18000] =	vst v63  }
.Ltmp4:
0x8d: {  	_ = 	snop;
	(pc) =	sbr.rel @p1 .LBB2_12-.Ltmp4, $4  }
0x8e: {  	s21 =	sadd.s32 $0x1000, s23;
	s22 =	sadd.s32 $0x100, s19  }
0x8f: {  	[hbm4b:s22+s12] =	stream.strided.scatter [tilespmem:s21], [sflag:$0x2], $0x400, s13, s12, $0x38;
	[tilespmem:$0x18000] =	vst v63  }
0x90: {  	s22 =	sadd.s32 $0x1400, s23  }
0x91: {  	s23 =	sadd.s32 $0x140, s19;
	s19 =	sadd.s32 $0xC00, s19;
	s21 =	smov.u32 s24  }
0x92: {  	[hbm4b:s23+s12] =	stream.strided.scatter [tilespmem:s22], [sflag:$0x2], $0x400, s13, s12, $0x38;
	[tilespmem:$0x18000] =	vst v63  }
0x93: {  	s20 =	sadd.s32 s20, s17  }
0x94: {  	[hbm4b:s19+s12] =	stream.strided.scatter [tilespmem:s20], [sflag:$0x2], $0x400, s13, s12, $0x38;
	[tilespmem:$0x18000] =	vst v63  }
0x95: {  	s24 =	sadd.s32 $0x40, s19;
	s21 =	sadd.s32 $0x400, s20  }
0x96: {  	[hbm4b:s24+s12] =	stream.strided.scatter [tilespmem:s21], [sflag:$0x2], $0x400, s13, s12, $0x38;
	[tilespmem:$0x18000] =	vst v63  }
0x97: {  	s26 =	sadd.s32 $0x80, s19;
	s25 =	sadd.s32 $0x800, s20  }
0x98: {  	[hbm4b:s26+s12] =	stream.strided.scatter [tilespmem:s25], [sflag:$0x2], $0x400, s13, s12, $0x38;
	[tilespmem:$0x18000] =	vst v63  }
0x99: {  	s29 =	sadd.s32 $0xC0, s19;
	s28 =	sadd.s32 $0xC00, s20  }
0x9a: {  	[hbm4b:s29+s12] =	stream.strided.scatter [tilespmem:s28], [sflag:$0x2], $0x400, s13, s12, $0x38;
	[tilespmem:$0x18000] =	vst v63  }
0x9b: {  	s31 =	sadd.s32 $0x100, s19;
	s30 =	sadd.s32 $0x1000, s20  }
0x9c: {  	[hbm4b:s31+s12] =	stream.strided.scatter [tilespmem:s30], [sflag:$0x2], $0x400, s13, s12, $0x38;
	[tilespmem:$0x18000] =	vst v63  }
0x9d: {  	s22 =	sadd.s32 $0x0, s17;
	s20 =	sadd.s32 $0x1400, s20;
	s21 =	sadd.s32 $0x140, s19  }
0x9e: {  	[hbm4b:s21+s12] =	stream.strided.scatter [tilespmem:s20], [sflag:$0x2], $0x400, s13, s12, $0x38;
	[tilespmem:$0x18000] =	vst v63  }
0x9f: {  	s18 =	sadd.s32 s18, s9;
	s23 =	sadd.s32 $0x400, s22  }
0xa0: {  	[hbm4b:s18+s12] =	stream.strided.scatter [tilespmem:s22], [sflag:$0x2], $0x400, s13, s12, $0x38;
	[tilespmem:$0x18000] =	vst v63  }
0xa1: {  	s24 =	sadd.s32 $0x40, s18;
	s19 =	simm.s32 $0x1800;
	s25 =	sadd.s32 $0x800, s22  }
0xa2: {  	[hbm4b:s24+s12] =	stream.strided.scatter [tilespmem:s23], [sflag:$0x2], $0x400, s13, s12, $0x38;
	[tilespmem:$0x18000] =	vst v63  }
0xa3: {  	s26 =	sadd.s32 $0x80, s18;
	s28 =	sadd.s32 $0xC00, s22;
	s29 =	sadd.s32 $0xC0, s18  }
0xa4: {  	[hbm4b:s26+s12] =	stream.strided.scatter [tilespmem:s25], [sflag:$0x2], $0x400, s13, s12, $0x38;
	[tilespmem:$0x18000] =	vst v63  }
0xa5: {  	s30 =	sadd.s32 $0x1000, s22;
	s31 =	sadd.s32 $0x100, s18;
	s20 =	simm.s32 $0xC000  }
0xa6: {  	[hbm4b:s29+s12] =	stream.strided.scatter [tilespmem:s28], [sflag:$0x2], $0x400, s13, s12, $0x38;
	[tilespmem:$0x18000] =	vst v63  }
0xa7: {  	s21 =	sadd.s32 $0x1400, s22;
	s22 =	sadd.s32 $0x140, s18;
	s18 =	sadd.s32 $0xC00, s18  }
0xa8: {  	[hbm4b:s31+s12] =	stream.strided.scatter [tilespmem:s30], [sflag:$0x2], $0x400, s13, s12, $0x38;
	[tilespmem:$0x18000] =	vst v63  }
.LBB2_14:
0xa9: {  	[hbm4b:s22+s12] =	stream.strided.scatter [tilespmem:s21], [sflag:$0x2], $0x400, s13, s12, $0x38;
	[tilespmem:$0x18000] =	vst v63  }
0xaa: {  	s21 =	smov.u32 s20  }
0xab: {  	s23 =	sadd.s32 $0x6000, s20;
	s22 =	sadd.s32 s19, s17;
	s19 =	sshra.s32 s21, $0x2  }
0xac: {  	[hbm4b:s18+s12] =	stream.strided.scatter [tilespmem:s22], [sflag:$0x2], $0x400, s13, s12, $0x38;
	[tilespmem:$0x18000] =	vst v63  }
0xad: {  	p1 =	seq.s32 s20, $0x2A000;
	s20 =	sadd.s32 $0x400, s22;
	s21 =	sadd.s32 $0x40, s18  }
0xae: {  	[hbm4b:s21+s12] =	stream.strided.scatter [tilespmem:s20], [sflag:$0x2], $0x400, s13, s12, $0x38;
	[tilespmem:$0x18000] =	vst v63  }
0xaf: {  	s20 =	sadd.s32 $0x800, s22;
	s21 =	sadd.s32 $0x80, s18  }
0xb0: {  	[hbm4b:s21+s12] =	stream.strided.scatter [tilespmem:s20], [sflag:$0x2], $0x400, s13, s12, $0x38;
	[tilespmem:$0x18000] =	vst v63  }
0xb1: {  	s20 =	sadd.s32 $0xC00, s22;
	s21 =	sadd.s32 $0xC0, s18  }
0xb2: {  	[hbm4b:s21+s12] =	stream.strided.scatter [tilespmem:s20], [sflag:$0x2], $0x400, s13, s12, $0x38;
	[tilespmem:$0x18000] =	vst v63  }
.Ltmp5:
0xb3: {  	_ = 	snop;
	(pc) =	sbr.rel @!p1 .LBB2_14-.Ltmp5, $4  }
0xb4: {  	s20 =	sadd.s32 $0x1000, s22;
	s21 =	sadd.s32 $0x100, s18  }
0xb5: {  	[hbm4b:s21+s12] =	stream.strided.scatter [tilespmem:s20], [sflag:$0x2], $0x400, s13, s12, $0x38;
	[tilespmem:$0x18000] =	vst v63  }
0xb6: {  	s21 =	sadd.s32 $0x1400, s22  }
0xb7: {  	s22 =	sadd.s32 $0x140, s18;
	s18 =	sadd.s32 $0xC00, s18;
	s20 =	smov.u32 s23  }
0xb8: {  	[hbm4b:s22+s12] =	stream.strided.scatter [tilespmem:s21], [sflag:$0x2], $0x400, s13, s12, $0x38;
	[tilespmem:$0x18000] =	vst v63  }
0xb9: {  	s17 =	sadd.s32 s19, s17  }
0xba: {  	[hbm4b:s18+s12] =	stream.strided.scatter [tilespmem:s17], [sflag:$0x2], $0x400, s13, s12, $0x38;
	[tilespmem:$0x18000] =	vst v63  }
0xbb: {  	s20 =	sadd.s32 $0x40, s18;
	s19 =	sadd.s32 $0x400, s17  }
0xbc: {  	[hbm4b:s20+s12] =	stream.strided.scatter [tilespmem:s19], [sflag:$0x2], $0x400, s13, s12, $0x38;
	[tilespmem:$0x18000] =	vst v63  }
0xbd: {  	s25 =	sadd.s32 $0x80, s18;
	s24 =	sadd.s32 $0x800, s17  }
0xbe: {  	[hbm4b:s25+s12] =	stream.strided.scatter [tilespmem:s24], [sflag:$0x2], $0x400, s13, s12, $0x38;
	[tilespmem:$0x18000] =	vst v63  }
0xbf: {  	s28 =	sadd.s32 $0xC0, s18;
	s26 =	sadd.s32 $0xC00, s17  }
0xc0: {  	[hbm4b:s28+s12] =	stream.strided.scatter [tilespmem:s26], [sflag:$0x2], $0x400, s13, s12, $0x38;
	[tilespmem:$0x18000] =	vst v63  }
0xc1: {  	s30 =	sadd.s32 $0x100, s18;
	s29 =	sadd.s32 $0x1000, s17  }
0xc2: {  	[hbm4b:s30+s12] =	stream.strided.scatter [tilespmem:s29], [sflag:$0x2], $0x400, s13, s12, $0x38;
	[tilespmem:$0x18000] =	vst v63  }
0xc3: {  	s31 =	sadd.s32 $0x140, s18;
	s17 =	sadd.s32 $0x1400, s17  }
0xc4: {  	[hbm4b:s31+s12] =	stream.strided.scatter [tilespmem:s17], [sflag:$0x2], $0x400, s13, s12, $0x38;
	[tilespmem:$0x18000] =	vst v63  }
0xc5: {  	p1 =	seq.s32 s16, $0x4  }
.Ltmp6:
0xc6: {  	_ = 	snop;
	(pc) =	sbr.rel @!p1 .LBB2_3-.Ltmp6, $2  }
0xc7: {  	_ =	sdelay $0x2  }
0xc8: {  	p0 =	por !p0, !p0;
	s17 =	smov.u32 s16  }
0xc9: {  	_ =	swait.ge [sflag:s14], $0xC000  }
0xca: {  	[sflag:s14] =	ssyncset.done $0x0  }
0xcb: {  	[sflag:s14] =	ssyncadd.s32 $0xFFFF4000  }
0xcc: {  	_ =	swait.ge [sflag:s14], $0xC000  }
0xcd: {  	[sflag:s14] =	ssyncset.done $0x0  }
0xce: {  	[sflag:s14] =	ssyncadd.s32 $0xFFFF4000  }
0xcf: {  	_ =	swait.ge [sflag:s14], $0xC000  }
0xd0: {  	[sflag:s14] =	ssyncset.done $0x0  }
0xd1: {  	[sflag:s14] =	ssyncadd.s32 $0xFFFF4000  }
0xd2: {  	_ =	swait.ge [sflag:s14], $0xC000  }
0xd3: {  	[sflag:s14] =	ssyncset.done $0x0  }
0xd4: {  	[sflag:s14] =	ssyncadd.s32 $0xFFFF4000  }
0xd5: {  	_ =	swait.ge [sflag:s14], $0xC000  }
0xd6: {  	[sflag:s14] =	ssyncset.done $0x0  }
0xd7: {  	[sflag:s14] =	ssyncadd.s32 $0xFFFF4000  }
0xd8: {  	_ =	swait.ge [sflag:s14], $0xC000  }
0xd9: {  	[sflag:s14] =	ssyncset.done $0x0  }
0xda: {  	s15 =	sadd.s32 $0x1, s15;
	[sflag:s14] =	ssyncadd.s32 $0xFFFF4000  }
0xdb: {  	p0 =	sne.s32 s15, s10;
	_ =	swait.ge [sflag:s14], $0xC000  }
.Ltmp7:
0xdc: {  	[sflag:s14] =	ssyncset.done $0x0;
	(pc) =	sbr.rel @p0 .LBB2_1-.Ltmp7, $4  }
0xdd: {  	[sflag:s14] =	ssyncadd.s32 $0xFFFF4000  }
0xde: {  	_ =	swait.ge [sflag:s14], $0xC000  }
0xdf: {  	[sflag:s14] =	ssyncset.done $0x0  }
0xe0: {  	[sflag:s14] =	ssyncadd.s32 $0xFFFF4000  }
0xe1: {  	_ =	sfence.sel $0x180000  }
0xe2: {  	[bflag:$0x0] =	sbarrier.arrive $0xFFFF  }
0xe3: {  	p0 =	sne.s32 s0, $0x0;
	_ =	strace $0x90000047  }
0xe4: {  	s0 =	sadd.s32 @!p0 $0x100000, s1;
	[bflag:$0x2] =	sbarrier.arrive $0xFFFF  }
0xe5: {  	[sflag:s0] =	ssyncadd.tile.s32 @!p0 $0x1;
	_ =	shalt  }
.Lfunc_end2:
_tile_overlayer_lowered:
.L_overlay_start_2:
0xe6: {  	(tag) =	ssettag $0x2  }
0xe7: {  	s0 =	rddreg [dreg:$0x0];
	s2 =	stileid.u32  }
0xe8: {  	s1 =	rddreg [dreg:$0x1];
	p0 =	sne.s32 s2, $0x0  }
0xe9: {  	s3 =	rddreg [dreg:$0x2];
	[bflag:$0x3] =	sbarrier.arrive $0xFFFF;
	s2 =	simm.s32 @!p0 $0x1C03  }
0xea: {  	[timem:s3], [sflag:s2] =	dma.local @!p0 [hbm:s0], s1  }
0xeb: {  	s0 =	simm.s32 @!p0 $0x3  }
0xec: {  	_ =	swait.ge @!p0 [sflag:s0], s1  }
0xed: {  	s1 =	ssub.s32 @!p0 $0x0, s1;
	[sflag:s0] =	ssyncset.done @!p0 $0x0  }
0xee: {  	[sflag:s0] =	ssyncadd.s32 @!p0 s1  }
0xef: {  	[bflag:$0x3] =	sbarrier.arrive $0xFFFF  }
0xf0: {  	_ =	shalt  }

</sc_bundles>
